<compile_context>
chip_gen: v7x
topology: tpu7x:2x2x1
jax: 0.10.2.dev20260603
libtpu: 0.0.44.dev20260713+nightly
codegen_flags: <defaults>
</compile_context>

<pallas_src>
import functools

import jax
import jax.numpy as jnp
from jax import lax
from jax.experimental import pallas as pl
from jax.experimental.pallas import tpu as pltpu
from jax.experimental.pallas import tpu_sc as plsc

B = 2048
D = 256
K = 1024
ND = 8
H = D // 2

BM = 256
NBLK = B // BM

NW = 32
RPW = B // NW


def _gelu_exact(x):
    return 0.5 * x * (1.0 + lax.erf(x * (2.0 ** -0.5)))


def _layernorm(x, g, b):
    mu = jnp.mean(x, axis=-1, keepdims=True)
    var = jnp.mean((x - mu) ** 2, axis=-1, keepdims=True)
    return (x - mu) / jnp.sqrt(var + 1e-5) * g + b


def _heads_body(x_ref, w1_ref, b1_ref, g1_ref, be1_ref, w2_ref, b2_ref,
                pw1_ref, pb1_ref, pg_ref, pbe_ref, pw2_ref, pb2_ref,
                feats_ref, w_ref):
    x = x_ref[...]
    dot = functools.partial(jnp.dot, preferred_element_type=jnp.float32)
    h = dot(x, w1_ref[...]) + b1_ref[...]
    h = _layernorm(h, g1_ref[...], be1_ref[...])
    h = _gelu_exact(h)
    h = dot(h, w2_ref[...]) + b2_ref[...]
    n = jnp.sqrt(jnp.sum(h * h, axis=-1, keepdims=True))
    feats_ref[...] = h / jnp.maximum(n, 1e-12)
    t = dot(x, pw1_ref[...]) + pb1_ref[...]
    t = _layernorm(t, pg_ref[...], pbe_ref[...])
    t = _gelu_exact(t)
    logits = dot(t, pw2_ref[...]) + pb2_ref[...]
    m = jnp.max(logits, axis=-1, keepdims=True)
    e = jnp.exp(logits - m)
    w_ref[...] = e / jnp.sum(e, axis=-1, keepdims=True)


def _run_heads(features, ph_W1, ph_b1, ln1_g, ln1_b, ph_W2, ph_b2,
               pw_W1, pw_b1, pw_ln_g, pw_ln_b, pw_W2, pw_b2):
    def const(shape):
        return pl.BlockSpec(shape, lambda i: (0,) * len(shape))
    return pl.pallas_call(
        _heads_body,
        grid=(NBLK,),
        in_specs=[
            pl.BlockSpec((BM, D), lambda i: (i, 0)),
            const((D, D)), const((1, D)), const((1, D)), const((1, D)),
            const((D, D)), const((1, D)),
            const((D, H)), const((1, H)), const((1, H)), const((1, H)),
            const((H, K)), const((1, K)),
        ],
        out_specs=[
            pl.BlockSpec((BM, D), lambda i: (i, 0)),
            pl.BlockSpec((BM, K), lambda i: (i, 0)),
        ],
        out_shape=[
            jax.ShapeDtypeStruct((B, D), jnp.float32),
            jax.ShapeDtypeStruct((B, K), jnp.float32),
        ],
    )(features, ph_W1, ph_b1.reshape(1, D), ln1_g.reshape(1, D),
      ln1_b.reshape(1, D), ph_W2, ph_b2.reshape(1, D),
      pw_W1, pw_b1.reshape(1, H), pw_ln_g.reshape(1, H),
      pw_ln_b.reshape(1, H), pw_W2, pw_b2.reshape(1, K))


def _mix_body(offs_ref, w_ref, f_ref, p_ref, g_ref, out_ref):
    i = pl.program_id(0)
    lo = i * BM
    W = w_ref[...]
    G = g_ref[...]
    rows = lo + lax.broadcasted_iota(jnp.int32, (BM, 1), 0)
    out_ref[...] = f_ref[...]
    for n in range(ND):
        s = offs_ref[n]
        e = offs_ref[n + 1]

        @pl.when((e > lo) & (s < lo + BM))
        def _():
            mask = ((rows >= s) & (rows < e)).astype(jnp.float32)
            Mn = 0.6 * p_ref[pl.ds(n * K, K), :] + 0.4 * G
            out_ref[...] += 0.2 * jnp.dot(
                W * mask, Mn, preferred_element_type=jnp.float32)


def _run_mix(offs, w_sorted, f_sorted, p_flat, g):
    grid_spec = pltpu.PrefetchScalarGridSpec(
        num_scalar_prefetch=1,
        grid=(NBLK,),
        in_specs=[
            pl.BlockSpec((BM, K), lambda i, offs: (i, 0)),
            pl.BlockSpec((BM, D), lambda i, offs: (i, 0)),
            pl.BlockSpec((ND * K, D), lambda i, offs: (0, 0)),
            pl.BlockSpec((K, D), lambda i, offs: (0, 0)),
        ],
        out_specs=pl.BlockSpec((BM, D), lambda i, offs: (i, 0)),
    )
    return pl.pallas_call(
        _mix_body,
        grid_spec=grid_spec,
        out_shape=jax.ShapeDtypeStruct((B, D), jnp.float32),
    )(offs, w_sorted, f_sorted, p_flat, g)


@functools.cache
def _sc_gather():
    mesh = plsc.VectorSubcoreMesh(core_axis_name="c", subcore_axis_name="s")

    @functools.partial(
        pl.kernel, mesh=mesh,
        out_type=(jax.ShapeDtypeStruct((B, K), jnp.float32),
                  jax.ShapeDtypeStruct((B, D), jnp.float32)),
        scratch_types=[pltpu.VMEM((RPW,), jnp.int32),
                       pltpu.VMEM((RPW, K), jnp.float32),
                       pltpu.VMEM((RPW, D), jnp.float32),
                       pltpu.SemaphoreType.DMA],
    )
    def gather(w_hbm, f_hbm, perm_hbm, wout_hbm, fout_hbm,
               idx_v, wrows_v, frows_v, sem):
        wid = lax.axis_index("s") * 2 + lax.axis_index("c")
        base = wid * RPW
        pltpu.sync_copy(perm_hbm.at[pl.ds(base, RPW)], idx_v)
        pltpu.async_copy(w_hbm.at[idx_v], wrows_v, sem).wait()
        pltpu.sync_copy(wrows_v, wout_hbm.at[pl.ds(base, RPW)])
        pltpu.async_copy(f_hbm.at[idx_v], frows_v, sem).wait()
        pltpu.sync_copy(frows_v, fout_hbm.at[pl.ds(base, RPW)])

    return gather


@functools.cache
def _sc_scatter():
    mesh = plsc.VectorSubcoreMesh(core_axis_name="c", subcore_axis_name="s")

    @functools.partial(
        pl.kernel, mesh=mesh,
        out_type=jax.ShapeDtypeStruct((B, D), jnp.float32),
        scratch_types=[pltpu.VMEM((RPW,), jnp.int32),
                       pltpu.VMEM((RPW, D), jnp.float32),
                       pltpu.SemaphoreType.DMA],
    )
    def scatter(enh_hbm, perm_hbm, out_hbm, idx_v, rows_v, sem):
        wid = lax.axis_index("s") * 2 + lax.axis_index("c")
        base = wid * RPW
        pltpu.sync_copy(perm_hbm.at[pl.ds(base, RPW)], idx_v)
        pltpu.sync_copy(enh_hbm.at[pl.ds(base, RPW)], rows_v)
        pltpu.async_copy(rows_v, out_hbm.at[idx_v], sem).wait()

    return scatter


def kernel(features, domain_ids, ph_W1, ph_b1, ln1_g, ln1_b, ph_W2, ph_b2,
           pw_W1, pw_b1, pw_ln_g, pw_ln_b, pw_W2, pw_b2,
           domain_prototypes, global_prototypes):
    did = jnp.minimum(domain_ids, ND - 1).astype(jnp.int32)
    perm = jnp.argsort(did).astype(jnp.int32)
    counts = jnp.bincount(did, length=ND)
    offs = jnp.concatenate(
        [jnp.zeros((1,), jnp.int32), jnp.cumsum(counts).astype(jnp.int32)])

    feats, w = _run_heads(features, ph_W1, ph_b1, ln1_g, ln1_b, ph_W2, ph_b2,
                          pw_W1, pw_b1, pw_ln_g, pw_ln_b, pw_W2, pw_b2)
    w_sorted, f_sorted = _sc_gather()(w, feats, perm)
    enh_sorted = _run_mix(offs, w_sorted, f_sorted,
                          domain_prototypes.reshape(ND * K, D),
                          global_prototypes)
    enhanced = _sc_scatter()(enh_sorted, perm)
    return (enhanced, w)

# --- scband reference (transcript-rebuilt; emitter-appended) ---
"""Pipeline reference for scband-stable-hyperspherical-prototype-6064493822098 (READ-ONLY COPY).

The authoritative reference and input builder live on the scoring server;
editing this copy changes nothing except your own understanding.
"""

import jax, jax.numpy as jnp
import numpy as np

B = 2048
D = 256
K = 1024
ND = 8


def _normalize(x, axis=-1):
    n = jnp.linalg.norm(x, axis=axis, keepdims=True)
    return x / jnp.clip(n, 1e-12)


def _layernorm(x, g, b):
    mu = jnp.mean(x, axis=-1, keepdims=True)
    var = jnp.mean((x - mu) ** 2, axis=-1, keepdims=True)
    return (x - mu) / jnp.sqrt(var + 1e-5) * g + b


def setup_inputs(seed: int = 0):
    key = jax.random.key(seed)
    ks = jax.random.split(key, 10)

    def lin(k, fin, fout):
        k1, k2 = jax.random.split(k)
        lim = 1.0 / np.sqrt(fin)
        W = jax.random.uniform(k1, (fin, fout), minval=-lim, maxval=lim, dtype=jnp.float32)
        b = jax.random.uniform(k2, (fout,), minval=-lim, maxval=lim, dtype=jnp.float32)
        return W, b

    features = jax.random.normal(ks[0], (B, D), dtype=jnp.float32)
    domain_ids = jax.random.randint(ks[1], (B,), 0, ND)
    ph_W1, ph_b1 = lin(ks[2], D, D)
    ph_W2, ph_b2 = lin(ks[3], D, D)
    pw_W1, pw_b1 = lin(ks[4], D, D // 2)
    pw_W2, pw_b2 = lin(ks[5], D // 2, K)
    ln1_g = jnp.ones((D,), jnp.float32)
    ln1_b = jnp.zeros((D,), jnp.float32)
    pw_ln_g = jnp.ones((D // 2,), jnp.float32)
    pw_ln_b = jnp.zeros((D // 2,), jnp.float32)
    domain_prototypes = _normalize(jax.random.normal(ks[6], (ND, K, D), dtype=jnp.float32))
    global_prototypes = _normalize(jax.random.normal(ks[7], (K, D), dtype=jnp.float32))
    return dict(features=features, domain_ids=domain_ids,
                ph_W1=ph_W1, ph_b1=ph_b1, ln1_g=ln1_g, ln1_b=ln1_b,
                ph_W2=ph_W2, ph_b2=ph_b2,
                pw_W1=pw_W1, pw_b1=pw_b1, pw_ln_g=pw_ln_g, pw_ln_b=pw_ln_b,
                pw_W2=pw_W2, pw_b2=pw_b2,
                domain_prototypes=domain_prototypes, global_prototypes=global_prototypes)


def reference(features, domain_ids, ph_W1, ph_b1, ln1_g, ln1_b, ph_W2, ph_b2,
              pw_W1, pw_b1, pw_ln_g, pw_ln_b, pw_W2, pw_b2,
              domain_prototypes, global_prototypes):
    # get_feature: projection head (Linear -> LayerNorm -> GELU -> [Dropout eval noop] -> Linear) then L2 normalize
    h = features @ ph_W1 + ph_b1
    h = _layernorm(h, ln1_g, ln1_b)
    h = jax.nn.gelu(h, approximate=False)
    h = h @ ph_W2 + ph_b2
    feats = _normalize(h)
    # prototype_weight head: Linear -> LayerNorm -> GELU -> Linear -> Softmax (applied on raw features)
    w = features @ pw_W1 + pw_b1
    w = _layernorm(w, pw_ln_g, pw_ln_b)
    w = jax.nn.gelu(w, approximate=False)
    w = w @ pw_W2 + pw_b2
    proto_weights = jax.nn.softmax(w, axis=-1)
    # adaptive_prototype_update is skipped in eval mode (self.training == False)
    did = jnp.minimum(domain_ids, ND - 1)
    # mixed prototypes per sample: 0.6 * domain_prototypes[did] + 0.4 * global_prototypes
    # compute w @ protos for every domain, then select via one-hot (avoids materializing [B,K,D])
    all_dom = jnp.einsum('bk,nkd->bnd', proto_weights, domain_prototypes)
    sel = jax.nn.one_hot(did, ND, dtype=proto_weights.dtype)
    dom_feat = jnp.einsum('bn,bnd->bd', sel, all_dom)
    glob_feat = proto_weights @ global_prototypes
    prototype_feature = 0.6 * dom_feat + 0.4 * glob_feat
    enhanced = feats + 0.2 * prototype_feature
    return (enhanced, proto_weights)

if __name__ == "__main__":
    import jax
    _d = setup_inputs()
    print(jax.jit(kernel)(*tuple(_d.values())))

</pallas_src>

<mosaic_0001>
#map = affine_map<(d0, d1) -> (0, 0)>
#map1 = affine_map<(d0, d1) -> (0)>
module attributes {stable_mosaic.version = 14 : i64} {
  func.func @gather(%arg0: i32, %arg1: i32, %arg2: memref<2048x1024xf32, #tpu.memory_space<hbm>>, %arg3: memref<2048x256xf32, #tpu.memory_space<hbm>>, %arg4: memref<2048xi32, #tpu.memory_space<hbm>>, %arg5: memref<2048x1024xf32, #tpu.memory_space<hbm>>, %arg6: memref<2048x256xf32, #tpu.memory_space<hbm>>, %arg7: memref<64xi32, #tpu.memory_space<vmem>>, %arg8: memref<64x1024xf32, #tpu.memory_space<vmem>>, %arg9: memref<64x256xf32, #tpu.memory_space<vmem>>, %arg10: memref<!tpu.dma_semaphore, #tpu.memory_space<semaphore_mem>>) attributes {dimension_semantics = [#tpu.dimension_semantics<core_parallel>, #tpu.dimension_semantics<subcore_parallel>], iteration_bounds = array<i64: 2, 16>, scalar_prefetch = 0 : i64, scratch_operands = 4 : i64, tpu.core_type = #tpu.core_type<sc_vector_subcore>, window_params = [{transform_indices = #map}, {transform_indices = #map}, {transform_indices = #map1}, {transform_indices = #map}, {transform_indices = #map}]} {
    %mul3A = arith.constant 2 : i32
    %mul3A_0 = arith.muli %arg1, %mul3A : i32
    %add3A = arith.addi %mul3A_0, %arg0 : i32
    %mul3A_1 = arith.constant 64 : i32
    %mul3A_2 = arith.muli %add3A, %mul3A_1 : i32
    "tpu.region"() ({
      %run_scoped3A = tpu.sem_alloc : memref<!tpu.dma_semaphore, #tpu.memory_space<semaphore_mem>>
      %dma_start3A_13 = tpu.memref_slice %arg4[%mul3A_2] : memref<2048xi32, #tpu.memory_space<hbm>> -> memref<64xi32, #tpu.memory_space<hbm>>
      %dma_start3A_14 = tpu.memref_slice %arg4[%mul3A_2] : memref<2048xi32, #tpu.memory_space<hbm>> -> memref<64xi32, #tpu.memory_space<hbm>>
      tpu.enqueue_dma source(%dma_start3A_14 : memref<64xi32, #tpu.memory_space<hbm>>) target(%arg7 : memref<64xi32, #tpu.memory_space<vmem>>) target_semaphore(%run_scoped3A : memref<!tpu.dma_semaphore, #tpu.memory_space<semaphore_mem>>)
      %dma_wait3A_15 = tpu.memref_slice %arg4[%mul3A_2] : memref<2048xi32, #tpu.memory_space<hbm>> -> memref<64xi32, #tpu.memory_space<hbm>>
      %dma_wait3A_16 = tpu.memref_slice %arg4[%mul3A_2] : memref<2048xi32, #tpu.memory_space<hbm>> -> memref<64xi32, #tpu.memory_space<hbm>>
      tpu.wait_dma2 semaphore(%run_scoped3A : memref<!tpu.dma_semaphore, #tpu.memory_space<semaphore_mem>>) src(%dma_wait3A_16 : memref<64xi32, #tpu.memory_space<hbm>>) dst(%arg7 : memref<64xi32, #tpu.memory_space<vmem>>)
      tpu.yield
    }) : () -> ()
    %dma_start3A = arith.constant 0 : i32
    %dma_start3A_3 = arith.constant 0 : i32
    %dma_start3A_4 = tpu.memref_slice %arg2[%dma_start3A, %dma_start3A_3] : memref<2048x1024xf32, #tpu.memory_space<hbm>> -> memref<2048x1024xf32, #tpu.memory_space<hbm>>
    tpu.enqueue_indirect_dma source(%dma_start3A_4 : memref<2048x1024xf32, #tpu.memory_space<hbm>>) target(%arg8 : memref<64x1024xf32, #tpu.memory_space<vmem>>) offsets(%arg7 : memref<64xi32, #tpu.memory_space<vmem>>) semaphore(%arg10 : memref<!tpu.dma_semaphore, #tpu.memory_space<semaphore_mem>>)
    %dma_wait3A = arith.constant 0 : i32
    %dma_wait3A_5 = arith.constant 0 : i32
    %dma_wait3A_6 = tpu.memref_slice %arg2[%dma_wait3A, %dma_wait3A_5] : memref<2048x1024xf32, #tpu.memory_space<hbm>> -> memref<2048x1024xf32, #tpu.memory_space<hbm>>
    tpu.wait_indirect_dma semaphore(%arg10 : memref<!tpu.dma_semaphore, #tpu.memory_space<semaphore_mem>>) src(%dma_wait3A_6 : memref<2048x1024xf32, #tpu.memory_space<hbm>>) dst(%arg8 : memref<64x1024xf32, #tpu.memory_space<vmem>>)
    "tpu.region"() ({
      %run_scoped3A = tpu.sem_alloc : memref<!tpu.dma_semaphore, #tpu.memory_space<semaphore_mem>>
      %dma_start3A_13 = arith.constant 0 : i32
      %dma_start3A_14 = tpu.memref_slice %arg5[%mul3A_2, %dma_start3A_13] : memref<2048x1024xf32, #tpu.memory_space<hbm>> -> memref<64x1024xf32, #tpu.memory_space<hbm>>
      %dma_start3A_15 = arith.constant 0 : i32
      %dma_start3A_16 = tpu.memref_slice %arg5[%mul3A_2, %dma_start3A_15] : memref<2048x1024xf32, #tpu.memory_space<hbm>> -> memref<64x1024xf32, #tpu.memory_space<hbm>>
      tpu.enqueue_dma source(%arg8 : memref<64x1024xf32, #tpu.memory_space<vmem>>) target(%dma_start3A_16 : memref<64x1024xf32, #tpu.memory_space<hbm>>) target_semaphore(%run_scoped3A : memref<!tpu.dma_semaphore, #tpu.memory_space<semaphore_mem>>)
      %dma_wait3A_17 = arith.constant 0 : i32
      %dma_wait3A_18 = tpu.memref_slice %arg5[%mul3A_2, %dma_wait3A_17] : memref<2048x1024xf32, #tpu.memory_space<hbm>> -> memref<64x1024xf32, #tpu.memory_space<hbm>>
      %dma_wait3A_19 = arith.constant 0 : i32
      %dma_wait3A_20 = tpu.memref_slice %arg5[%mul3A_2, %dma_wait3A_19] : memref<2048x1024xf32, #tpu.memory_space<hbm>> -> memref<64x1024xf32, #tpu.memory_space<hbm>>
      tpu.wait_dma2 semaphore(%run_scoped3A : memref<!tpu.dma_semaphore, #tpu.memory_space<semaphore_mem>>) src(%arg8 : memref<64x1024xf32, #tpu.memory_space<vmem>>) dst(%dma_wait3A_20 : memref<64x1024xf32, #tpu.memory_space<hbm>>)
      tpu.yield
    }) : () -> ()
    %dma_start3A_7 = arith.constant 0 : i32
    %dma_start3A_8 = arith.constant 0 : i32
    %dma_start3A_9 = tpu.memref_slice %arg3[%dma_start3A_7, %dma_start3A_8] : memref<2048x256xf32, #tpu.memory_space<hbm>> -> memref<2048x256xf32, #tpu.memory_space<hbm>>
    tpu.enqueue_indirect_dma source(%dma_start3A_9 : memref<2048x256xf32, #tpu.memory_space<hbm>>) target(%arg9 : memref<64x256xf32, #tpu.memory_space<vmem>>) offsets(%arg7 : memref<64xi32, #tpu.memory_space<vmem>>) semaphore(%arg10 : memref<!tpu.dma_semaphore, #tpu.memory_space<semaphore_mem>>)
    %dma_wait3A_10 = arith.constant 0 : i32
    %dma_wait3A_11 = arith.constant 0 : i32
    %dma_wait3A_12 = tpu.memref_slice %arg3[%dma_wait3A_10, %dma_wait3A_11] : memref<2048x256xf32, #tpu.memory_space<hbm>> -> memref<2048x256xf32, #tpu.memory_space<hbm>>
    tpu.wait_indirect_dma semaphore(%arg10 : memref<!tpu.dma_semaphore, #tpu.memory_space<semaphore_mem>>) src(%dma_wait3A_12 : memref<2048x256xf32, #tpu.memory_space<hbm>>) dst(%arg9 : memref<64x256xf32, #tpu.memory_space<vmem>>)
    "tpu.region"() ({
      %run_scoped3A = tpu.sem_alloc : memref<!tpu.dma_semaphore, #tpu.memory_space<semaphore_mem>>
      %dma_start3A_13 = arith.constant 0 : i32
      %dma_start3A_14 = tpu.memref_slice %arg6[%mul3A_2, %dma_start3A_13] : memref<2048x256xf32, #tpu.memory_space<hbm>> -> memref<64x256xf32, #tpu.memory_space<hbm>>
      %dma_start3A_15 = arith.constant 0 : i32
      %dma_start3A_16 = tpu.memref_slice %arg6[%mul3A_2, %dma_start3A_15] : memref<2048x256xf32, #tpu.memory_space<hbm>> -> memref<64x256xf32, #tpu.memory_space<hbm>>
      tpu.enqueue_dma source(%arg9 : memref<64x256xf32, #tpu.memory_space<vmem>>) target(%dma_start3A_16 : memref<64x256xf32, #tpu.memory_space<hbm>>) target_semaphore(%run_scoped3A : memref<!tpu.dma_semaphore, #tpu.memory_space<semaphore_mem>>)
      %dma_wait3A_17 = arith.constant 0 : i32
      %dma_wait3A_18 = tpu.memref_slice %arg6[%mul3A_2, %dma_wait3A_17] : memref<2048x256xf32, #tpu.memory_space<hbm>> -> memref<64x256xf32, #tpu.memory_space<hbm>>
      %dma_wait3A_19 = arith.constant 0 : i32
      %dma_wait3A_20 = tpu.memref_slice %arg6[%mul3A_2, %dma_wait3A_19] : memref<2048x256xf32, #tpu.memory_space<hbm>> -> memref<64x256xf32, #tpu.memory_space<hbm>>
      tpu.wait_dma2 semaphore(%run_scoped3A : memref<!tpu.dma_semaphore, #tpu.memory_space<semaphore_mem>>) src(%arg9 : memref<64x256xf32, #tpu.memory_space<vmem>>) dst(%dma_wait3A_20 : memref<64x256xf32, #tpu.memory_space<hbm>>)
      tpu.yield
    }) : () -> ()
    return
  }
}

#map = affine_map<(d0, d1) -> (0, 0)>
#map1 = affine_map<(d0, d1) -> (0)>
module attributes {stable_mosaic.version = 14 : i64} {
  func.func @scatter(%arg0: i32, %arg1: i32, %arg2: memref<2048x256xf32, #tpu.memory_space<hbm>>, %arg3: memref<2048xi32, #tpu.memory_space<hbm>>, %arg4: memref<2048x256xf32, #tpu.memory_space<hbm>>, %arg5: memref<64xi32, #tpu.memory_space<vmem>>, %arg6: memref<64x256xf32, #tpu.memory_space<vmem>>, %arg7: memref<!tpu.dma_semaphore, #tpu.memory_space<semaphore_mem>>) attributes {dimension_semantics = [#tpu.dimension_semantics<core_parallel>, #tpu.dimension_semantics<subcore_parallel>], iteration_bounds = array<i64: 2, 16>, scalar_prefetch = 0 : i64, scratch_operands = 3 : i64, tpu.core_type = #tpu.core_type<sc_vector_subcore>, window_params = [{transform_indices = #map}, {transform_indices = #map1}, {transform_indices = #map}]} {
    %mul3A = arith.constant 2 : i32
    %mul3A_0 = arith.muli %arg1, %mul3A : i32
    %add3A = arith.addi %mul3A_0, %arg0 : i32
    %mul3A_1 = arith.constant 64 : i32
    %mul3A_2 = arith.muli %add3A, %mul3A_1 : i32
    "tpu.region"() ({
      %run_scoped3A = tpu.sem_alloc : memref<!tpu.dma_semaphore, #tpu.memory_space<semaphore_mem>>
      %dma_start3A_7 = tpu.memref_slice %arg3[%mul3A_2] : memref<2048xi32, #tpu.memory_space<hbm>> -> memref<64xi32, #tpu.memory_space<hbm>>
      %dma_start3A_8 = tpu.memref_slice %arg3[%mul3A_2] : memref<2048xi32, #tpu.memory_space<hbm>> -> memref<64xi32, #tpu.memory_space<hbm>>
      tpu.enqueue_dma source(%dma_start3A_8 : memref<64xi32, #tpu.memory_space<hbm>>) target(%arg5 : memref<64xi32, #tpu.memory_space<vmem>>) target_semaphore(%run_scoped3A : memref<!tpu.dma_semaphore, #tpu.memory_space<semaphore_mem>>)
      %dma_wait3A_9 = tpu.memref_slice %arg3[%mul3A_2] : memref<2048xi32, #tpu.memory_space<hbm>> -> memref<64xi32, #tpu.memory_space<hbm>>
      %dma_wait3A_10 = tpu.memref_slice %arg3[%mul3A_2] : memref<2048xi32, #tpu.memory_space<hbm>> -> memref<64xi32, #tpu.memory_space<hbm>>
      tpu.wait_dma2 semaphore(%run_scoped3A : memref<!tpu.dma_semaphore, #tpu.memory_space<semaphore_mem>>) src(%dma_wait3A_10 : memref<64xi32, #tpu.memory_space<hbm>>) dst(%arg5 : memref<64xi32, #tpu.memory_space<vmem>>)
      tpu.yield
    }) : () -> ()
    "tpu.region"() ({
      %run_scoped3A = tpu.sem_alloc : memref<!tpu.dma_semaphore, #tpu.memory_space<semaphore_mem>>
      %dma_start3A_7 = arith.constant 0 : i32
      %dma_start3A_8 = tpu.memref_slice %arg2[%mul3A_2, %dma_start3A_7] : memref<2048x256xf32, #tpu.memory_space<hbm>> -> memref<64x256xf32, #tpu.memory_space<hbm>>
      %dma_start3A_9 = arith.constant 0 : i32
      %dma_start3A_10 = tpu.memref_slice %arg2[%mul3A_2, %dma_start3A_9] : memref<2048x256xf32, #tpu.memory_space<hbm>> -> memref<64x256xf32, #tpu.memory_space<hbm>>
      tpu.enqueue_dma source(%dma_start3A_10 : memref<64x256xf32, #tpu.memory_space<hbm>>) target(%arg6 : memref<64x256xf32, #tpu.memory_space<vmem>>) target_semaphore(%run_scoped3A : memref<!tpu.dma_semaphore, #tpu.memory_space<semaphore_mem>>)
      %dma_wait3A_11 = arith.constant 0 : i32
      %dma_wait3A_12 = tpu.memref_slice %arg2[%mul3A_2, %dma_wait3A_11] : memref<2048x256xf32, #tpu.memory_space<hbm>> -> memref<64x256xf32, #tpu.memory_space<hbm>>
      %dma_wait3A_13 = arith.constant 0 : i32
      %dma_wait3A_14 = tpu.memref_slice %arg2[%mul3A_2, %dma_wait3A_13] : memref<2048x256xf32, #tpu.memory_space<hbm>> -> memref<64x256xf32, #tpu.memory_space<hbm>>
      tpu.wait_dma2 semaphore(%run_scoped3A : memref<!tpu.dma_semaphore, #tpu.memory_space<semaphore_mem>>) src(%dma_wait3A_14 : memref<64x256xf32, #tpu.memory_space<hbm>>) dst(%arg6 : memref<64x256xf32, #tpu.memory_space<vmem>>)
      tpu.yield
    }) : () -> ()
    %dma_start3A = arith.constant 0 : i32
    %dma_start3A_3 = arith.constant 0 : i32
    %dma_start3A_4 = tpu.memref_slice %arg4[%dma_start3A, %dma_start3A_3] : memref<2048x256xf32, #tpu.memory_space<hbm>> -> memref<2048x256xf32, #tpu.memory_space<hbm>>
    tpu.enqueue_indirect_dma source(%arg6 : memref<64x256xf32, #tpu.memory_space<vmem>>) target(%dma_start3A_4 : memref<2048x256xf32, #tpu.memory_space<hbm>>) offsets(%arg5 : memref<64xi32, #tpu.memory_space<vmem>>) semaphore(%arg7 : memref<!tpu.dma_semaphore, #tpu.memory_space<semaphore_mem>>)
    %dma_wait3A = arith.constant 0 : i32
    %dma_wait3A_5 = arith.constant 0 : i32
    %dma_wait3A_6 = tpu.memref_slice %arg4[%dma_wait3A, %dma_wait3A_5] : memref<2048x256xf32, #tpu.memory_space<hbm>> -> memref<2048x256xf32, #tpu.memory_space<hbm>>
    tpu.wait_indirect_dma semaphore(%arg7 : memref<!tpu.dma_semaphore, #tpu.memory_space<semaphore_mem>>) src(%arg6 : memref<64x256xf32, #tpu.memory_space<vmem>>) dst(%dma_wait3A_6 : memref<2048x256xf32, #tpu.memory_space<hbm>>)
    return
  }
}

module attributes {stable_mosaic.version = 14 : i64} {
  func.func @_heads_body(%arg0: i32, %arg1: memref<256x256xf32, #tpu.memory_space<vmem>>, %arg2: memref<256x256xf32, #tpu.memory_space<vmem>>, %arg3: memref<1x256xf32, #tpu.memory_space<vmem>>, %arg4: memref<1x256xf32, #tpu.memory_space<vmem>>, %arg5: memref<1x256xf32, #tpu.memory_space<vmem>>, %arg6: memref<256x256xf32, #tpu.memory_space<vmem>>, %arg7: memref<1x256xf32, #tpu.memory_space<vmem>>, %arg8: memref<256x128xf32, #tpu.memory_space<vmem>>, %arg9: memref<1x128xf32, #tpu.memory_space<vmem>>, %arg10: memref<1x128xf32, #tpu.memory_space<vmem>>, %arg11: memref<1x128xf32, #tpu.memory_space<vmem>>, %arg12: memref<128x1024xf32, #tpu.memory_space<vmem>>, %arg13: memref<1x1024xf32, #tpu.memory_space<vmem>>, %arg14: memref<256x256xf32, #tpu.memory_space<vmem>>, %arg15: memref<256x1024xf32, #tpu.memory_space<vmem>>) attributes {dimension_semantics = [#tpu.dimension_semantics<arbitrary>], iteration_bounds = array<i64: 8>, scalar_prefetch = 0 : i64, scratch_operands = 0 : i64, tpu.core_type = #tpu.core_type<tc>, window_params = [{transform_indices = @transform_0, window_bounds = array<i64: 256, 256>}, {pipeline_mode = #tpu.pipeline_mode<synchronous>, transform_indices = @transform_1, window_bounds = array<i64: 256, 256>}, {pipeline_mode = #tpu.pipeline_mode<synchronous>, transform_indices = @transform_2, window_bounds = array<i64: 1, 256>}, {pipeline_mode = #tpu.pipeline_mode<synchronous>, transform_indices = @transform_3, window_bounds = array<i64: 1, 256>}, {pipeline_mode = #tpu.pipeline_mode<synchronous>, transform_indices = @transform_4, window_bounds = array<i64: 1, 256>}, {pipeline_mode = #tpu.pipeline_mode<synchronous>, transform_indices = @transform_5, window_bounds = array<i64: 256, 256>}, {pipeline_mode = #tpu.pipeline_mode<synchronous>, transform_indices = @transform_6, window_bounds = array<i64: 1, 256>}, {pipeline_mode = #tpu.pipeline_mode<synchronous>, transform_indices = @transform_7, window_bounds = array<i64: 256, 128>}, {pipeline_mode = #tpu.pipeline_mode<synchronous>, transform_indices = @transform_8, window_bounds = array<i64: 1, 128>}, {pipeline_mode = #tpu.pipeline_mode<synchronous>, transform_indices = @transform_9, window_bounds = array<i64: 1, 128>}, {pipeline_mode = #tpu.pipeline_mode<synchronous>, transform_indices = @transform_10, window_bounds = array<i64: 1, 128>}, {pipeline_mode = #tpu.pipeline_mode<synchronous>, transform_indices = @transform_11, window_bounds = array<i64: 128, 1024>}, {pipeline_mode = #tpu.pipeline_mode<synchronous>, transform_indices = @transform_12, window_bounds = array<i64: 1, 1024>}, {transform_indices = @transform_13, window_bounds = array<i64: 256, 256>}, {transform_indices = @transform_14, window_bounds = array<i64: 256, 1024>}]} {
    %get3A = arith.constant 0 : index
    %get3A_0 = arith.constant 0 : index
    %get3A_1 = vector.load %arg1[%get3A, %get3A_0] : memref<256x256xf32, #tpu.memory_space<vmem>>, vector<256x256xf32>
    %get3A_2 = arith.constant 0 : index
    %get3A_3 = arith.constant 0 : index
    %get3A_4 = vector.load %arg2[%get3A_2, %get3A_3] : memref<256x256xf32, #tpu.memory_space<vmem>>, vector<256x256xf32>
    %dot_general3A = arith.constant dense<0.000000e+00> : vector<256x256xf32>
    %dot_general3A_5 = tpu.matmul %get3A_1, %get3A_4, %dot_general3A {dimension_numbers = #tpu.dot_dimension_numbers<[1], [0], [0], [1], [0, 0, 1, 1], [], []>, transpose_lhs_hint = false} : vector<256x256xf32>, vector<256x256xf32>, vector<256x256xf32> -> vector<256x256xf32>
    %get3A_6 = arith.constant 0 : index
    %get3A_7 = arith.constant 0 : index
    %get3A_8 = vector.load %arg3[%get3A_6, %get3A_7] : memref<1x256xf32, #tpu.memory_space<vmem>>, vector<1x256xf32>
    %add3A = vector.broadcast %get3A_8 : vector<1x256xf32> to vector<256x256xf32>
    %add3A_9 = arith.addf %dot_general3A_5, %add3A : vector<256x256xf32>
    %get3A_10 = arith.constant 0 : index
    %get3A_11 = arith.constant 0 : index
    %get3A_12 = vector.load %arg4[%get3A_10, %get3A_11] : memref<1x256xf32, #tpu.memory_space<vmem>>, vector<1x256xf32>
    %get3A_13 = arith.constant 0 : index
    %get3A_14 = arith.constant 0 : index
    %get3A_15 = vector.load %arg5[%get3A_13, %get3A_14] : memref<1x256xf32, #tpu.memory_space<vmem>>, vector<1x256xf32>
    %reduce_sum3A = arith.constant dense<0.000000e+00> : vector<256xf32>
    %reduce_sum3A_16 = vector.multi_reduction <add>, %add3A_9, %reduce_sum3A [1] : vector<256x256xf32> to vector<256xf32>
    %broadcast_in_dim3A = vector.shape_cast %reduce_sum3A_16 : vector<256xf32> to vector<256x1xf32>
    %div3A = arith.constant 2.560000e+02 : f32
    %div3A_17 = vector.broadcast %div3A : f32 to vector<256x1xf32>
    %div3A_18 = arith.divf %broadcast_in_dim3A, %div3A_17 : vector<256x1xf32>
    %sub3A = vector.broadcast %div3A_18 : vector<256x1xf32> to vector<256x256xf32>
    %sub3A_19 = arith.subf %add3A_9, %sub3A : vector<256x256xf32>
    %integer_pow3A = arith.mulf %sub3A_19, %sub3A_19 : vector<256x256xf32>
    %reduce_sum3A_20 = arith.constant dense<0.000000e+00> : vector<256xf32>
    %reduce_sum3A_21 = vector.multi_reduction <add>, %integer_pow3A, %reduce_sum3A_20 [1] : vector<256x256xf32> to vector<256xf32>
    %broadcast_in_dim3A_22 = vector.shape_cast %reduce_sum3A_21 : vector<256xf32> to vector<256x1xf32>
    %div3A_23 = arith.constant 2.560000e+02 : f32
    %div3A_24 = vector.broadcast %div3A_23 : f32 to vector<256x1xf32>
    %div3A_25 = arith.divf %broadcast_in_dim3A_22, %div3A_24 : vector<256x1xf32>
    %sub3A_26 = vector.broadcast %div3A_18 : vector<256x1xf32> to vector<256x256xf32>
    %sub3A_27 = arith.subf %add3A_9, %sub3A_26 : vector<256x256xf32>
    %add3A_28 = arith.constant 9.99999974E-6 : f32
    %add3A_29 = vector.broadcast %add3A_28 : f32 to vector<256x1xf32>
    %add3A_30 = arith.addf %div3A_25, %add3A_29 : vector<256x1xf32>
    %sqrt3A = math.sqrt %add3A_30 : vector<256x1xf32>
    %div3A_31 = vector.broadcast %sqrt3A : vector<256x1xf32> to vector<256x256xf32>
    %div3A_32 = arith.divf %sub3A_27, %div3A_31 : vector<256x256xf32>
    %mul3A = vector.broadcast %get3A_12 : vector<1x256xf32> to vector<256x256xf32>
    %mul3A_33 = arith.mulf %div3A_32, %mul3A : vector<256x256xf32>
    %add3A_34 = vector.broadcast %get3A_15 : vector<1x256xf32> to vector<256x256xf32>
    %add3A_35 = arith.addf %mul3A_33, %add3A_34 : vector<256x256xf32>
    %mul3A_36 = arith.constant 5.000000e-01 : f32
    %mul3A_37 = vector.broadcast %mul3A_36 : f32 to vector<256x256xf32>
    %mul3A_38 = arith.mulf %mul3A_37, %add3A_35 : vector<256x256xf32>
    %mul3A_39 = arith.constant 0.707106769 : f32
    %mul3A_40 = vector.broadcast %mul3A_39 : f32 to vector<256x256xf32>
    %mul3A_41 = arith.mulf %add3A_35, %mul3A_40 : vector<256x256xf32>
    %erf3A = math.erf %mul3A_41 : vector<256x256xf32>
    %add3A_42 = arith.constant 1.000000e+00 : f32
    %add3A_43 = vector.broadcast %add3A_42 : f32 to vector<256x256xf32>
    %add3A_44 = arith.addf %add3A_43, %erf3A : vector<256x256xf32>
    %mul3A_45 = arith.mulf %mul3A_38, %add3A_44 : vector<256x256xf32>
    %get3A_46 = arith.constant 0 : index
    %get3A_47 = arith.constant 0 : index
    %get3A_48 = vector.load %arg6[%get3A_46, %get3A_47] : memref<256x256xf32, #tpu.memory_space<vmem>>, vector<256x256xf32>
    %dot_general3A_49 = arith.constant dense<0.000000e+00> : vector<256x256xf32>
    %dot_general3A_50 = tpu.matmul %mul3A_45, %get3A_48, %dot_general3A_49 {dimension_numbers = #tpu.dot_dimension_numbers<[1], [0], [0], [1], [0, 0, 1, 1], [], []>, transpose_lhs_hint = false} : vector<256x256xf32>, vector<256x256xf32>, vector<256x256xf32> -> vector<256x256xf32>
    %get3A_51 = arith.constant 0 : index
    %get3A_52 = arith.constant 0 : index
    %get3A_53 = vector.load %arg7[%get3A_51, %get3A_52] : memref<1x256xf32, #tpu.memory_space<vmem>>, vector<1x256xf32>
    %add3A_54 = vector.broadcast %get3A_53 : vector<1x256xf32> to vector<256x256xf32>
    %add3A_55 = arith.addf %dot_general3A_50, %add3A_54 : vector<256x256xf32>
    %mul3A_56 = arith.mulf %add3A_55, %add3A_55 : vector<256x256xf32>
    %reduce_sum3A_57 = arith.constant dense<0.000000e+00> : vector<256xf32>
    %reduce_sum3A_58 = vector.multi_reduction <add>, %mul3A_56, %reduce_sum3A_57 [1] : vector<256x256xf32> to vector<256xf32>
    %broadcast_in_dim3A_59 = vector.shape_cast %reduce_sum3A_58 : vector<256xf32> to vector<256x1xf32>
    %sqrt3A_60 = math.sqrt %broadcast_in_dim3A_59 : vector<256x1xf32>
    %max3A = arith.constant 9.99999996E-13 : f32
    %max3A_61 = vector.broadcast %max3A : f32 to vector<256x1xf32>
    %max3A_62 = arith.maximumf %sqrt3A_60, %max3A_61 : vector<256x1xf32>
    %div3A_63 = vector.broadcast %max3A_62 : vector<256x1xf32> to vector<256x256xf32>
    %div3A_64 = arith.divf %add3A_55, %div3A_63 : vector<256x256xf32>
    %swap3A = arith.constant 0 : index
    %swap3A_65 = arith.constant 0 : index
    %swap3A_66 = vector.load %arg14[%swap3A, %swap3A_65] : memref<256x256xf32, #tpu.memory_space<vmem>>, vector<256x256xf32>
    tpu.vector_store %arg14[%swap3A, %swap3A_65], %div3A_64 {strides = array<i32>} : memref<256x256xf32, #tpu.memory_space<vmem>>, vector<256x256xf32>,
    %get3A_67 = arith.constant 0 : index
    %get3A_68 = arith.constant 0 : index
    %get3A_69 = vector.load %arg8[%get3A_67, %get3A_68] : memref<256x128xf32, #tpu.memory_space<vmem>>, vector<256x128xf32>
    %dot_general3A_70 = arith.constant dense<0.000000e+00> : vector<256x128xf32>
    %dot_general3A_71 = tpu.matmul %get3A_1, %get3A_69, %dot_general3A_70 {dimension_numbers = #tpu.dot_dimension_numbers<[1], [0], [0], [1], [0, 0, 1, 1], [], []>, transpose_lhs_hint = false} : vector<256x256xf32>, vector<256x128xf32>, vector<256x128xf32> -> vector<256x128xf32>
    %get3A_72 = arith.constant 0 : index
    %get3A_73 = arith.constant 0 : index
    %get3A_74 = vector.load %arg9[%get3A_72, %get3A_73] : memref<1x128xf32, #tpu.memory_space<vmem>>, vector<1x128xf32>
    %add3A_75 = vector.broadcast %get3A_74 : vector<1x128xf32> to vector<256x128xf32>
    %add3A_76 = arith.addf %dot_general3A_71, %add3A_75 : vector<256x128xf32>
    %get3A_77 = arith.constant 0 : index
    %get3A_78 = arith.constant 0 : index
    %get3A_79 = vector.load %arg10[%get3A_77, %get3A_78] : memref<1x128xf32, #tpu.memory_space<vmem>>, vector<1x128xf32>
    %get3A_80 = arith.constant 0 : index
    %get3A_81 = arith.constant 0 : index
    %get3A_82 = vector.load %arg11[%get3A_80, %get3A_81] : memref<1x128xf32, #tpu.memory_space<vmem>>, vector<1x128xf32>
    %reduce_sum3A_83 = arith.constant dense<0.000000e+00> : vector<256xf32>
    %reduce_sum3A_84 = vector.multi_reduction <add>, %add3A_76, %reduce_sum3A_83 [1] : vector<256x128xf32> to vector<256xf32>
    %broadcast_in_dim3A_85 = vector.shape_cast %reduce_sum3A_84 : vector<256xf32> to vector<256x1xf32>
    %div3A_86 = arith.constant 1.280000e+02 : f32
    %div3A_87 = vector.broadcast %div3A_86 : f32 to vector<256x1xf32>
    %div3A_88 = arith.divf %broadcast_in_dim3A_85, %div3A_87 : vector<256x1xf32>
    %sub3A_89 = vector.broadcast %div3A_88 : vector<256x1xf32> to vector<256x128xf32>
    %sub3A_90 = arith.subf %add3A_76, %sub3A_89 : vector<256x128xf32>
    %integer_pow3A_91 = arith.mulf %sub3A_90, %sub3A_90 : vector<256x128xf32>
    %reduce_sum3A_92 = arith.constant dense<0.000000e+00> : vector<256xf32>
    %reduce_sum3A_93 = vector.multi_reduction <add>, %integer_pow3A_91, %reduce_sum3A_92 [1] : vector<256x128xf32> to vector<256xf32>
    %broadcast_in_dim3A_94 = vector.shape_cast %reduce_sum3A_93 : vector<256xf32> to vector<256x1xf32>
    %div3A_95 = arith.constant 1.280000e+02 : f32
    %div3A_96 = vector.broadcast %div3A_95 : f32 to vector<256x1xf32>
    %div3A_97 = arith.divf %broadcast_in_dim3A_94, %div3A_96 : vector<256x1xf32>
    %sub3A_98 = vector.broadcast %div3A_88 : vector<256x1xf32> to vector<256x128xf32>
    %sub3A_99 = arith.subf %add3A_76, %sub3A_98 : vector<256x128xf32>
    %add3A_100 = arith.constant 9.99999974E-6 : f32
    %add3A_101 = vector.broadcast %add3A_100 : f32 to vector<256x1xf32>
    %add3A_102 = arith.addf %div3A_97, %add3A_101 : vector<256x1xf32>
    %sqrt3A_103 = math.sqrt %add3A_102 : vector<256x1xf32>
    %div3A_104 = vector.broadcast %sqrt3A_103 : vector<256x1xf32> to vector<256x128xf32>
    %div3A_105 = arith.divf %sub3A_99, %div3A_104 : vector<256x128xf32>
    %mul3A_106 = vector.broadcast %get3A_79 : vector<1x128xf32> to vector<256x128xf32>
    %mul3A_107 = arith.mulf %div3A_105, %mul3A_106 : vector<256x128xf32>
    %add3A_108 = vector.broadcast %get3A_82 : vector<1x128xf32> to vector<256x128xf32>
    %add3A_109 = arith.addf %mul3A_107, %add3A_108 : vector<256x128xf32>
    %mul3A_110 = arith.constant 5.000000e-01 : f32
    %mul3A_111 = vector.broadcast %mul3A_110 : f32 to vector<256x128xf32>
    %mul3A_112 = arith.mulf %mul3A_111, %add3A_109 : vector<256x128xf32>
    %mul3A_113 = arith.constant 0.707106769 : f32
    %mul3A_114 = vector.broadcast %mul3A_113 : f32 to vector<256x128xf32>
    %mul3A_115 = arith.mulf %add3A_109, %mul3A_114 : vector<256x128xf32>
    %erf3A_116 = math.erf %mul3A_115 : vector<256x128xf32>
    %add3A_117 = arith.constant 1.000000e+00 : f32
    %add3A_118 = vector.broadcast %add3A_117 : f32 to vector<256x128xf32>
    %add3A_119 = arith.addf %add3A_118, %erf3A_116 : vector<256x128xf32>
    %mul3A_120 = arith.mulf %mul3A_112, %add3A_119 : vector<256x128xf32>
    %get3A_121 = arith.constant 0 : index
    %get3A_122 = arith.constant 0 : index
    %get3A_123 = vector.load %arg12[%get3A_121, %get3A_122] : memref<128x1024xf32, #tpu.memory_space<vmem>>, vector<128x1024xf32>
    %dot_general3A_124 = arith.constant dense<0.000000e+00> : vector<256x1024xf32>
    %dot_general3A_125 = tpu.matmul %mul3A_120, %get3A_123, %dot_general3A_124 {dimension_numbers = #tpu.dot_dimension_numbers<[1], [0], [0], [1], [0, 0, 1, 1], [], []>, transpose_lhs_hint = false} : vector<256x128xf32>, vector<128x1024xf32>, vector<256x1024xf32> -> vector<256x1024xf32>
    %get3A_126 = arith.constant 0 : index
    %get3A_127 = arith.constant 0 : index
    %get3A_128 = vector.load %arg13[%get3A_126, %get3A_127] : memref<1x1024xf32, #tpu.memory_space<vmem>>, vector<1x1024xf32>
    %add3A_129 = vector.broadcast %get3A_128 : vector<1x1024xf32> to vector<256x1024xf32>
    %add3A_130 = arith.addf %dot_general3A_125, %add3A_129 : vector<256x1024xf32>
    %reduce_max3A = arith.constant dense<0xFF800000> : vector<256xf32>
    %reduce_max3A_131 = vector.multi_reduction <maximumf>, %add3A_130, %reduce_max3A [1] : vector<256x1024xf32> to vector<256xf32>
    %broadcast_in_dim3A_132 = vector.shape_cast %reduce_max3A_131 : vector<256xf32> to vector<256x1xf32>
    %sub3A_133 = vector.broadcast %broadcast_in_dim3A_132 : vector<256x1xf32> to vector<256x1024xf32>
    %sub3A_134 = arith.subf %add3A_130, %sub3A_133 : vector<256x1024xf32>
    %exp3A = math.exp %sub3A_134 : vector<256x1024xf32>
    %reduce_sum3A_135 = arith.constant dense<0.000000e+00> : vector<256xf32>
    %reduce_sum3A_136 = vector.multi_reduction <add>, %exp3A, %reduce_sum3A_135 [1] : vector<256x1024xf32> to vector<256xf32>
    %broadcast_in_dim3A_137 = vector.shape_cast %reduce_sum3A_136 : vector<256xf32> to vector<256x1xf32>
    %div3A_138 = vector.broadcast %broadcast_in_dim3A_137 : vector<256x1xf32> to vector<256x1024xf32>
    %div3A_139 = arith.divf %exp3A, %div3A_138 : vector<256x1024xf32>
    %swap3A_140 = arith.constant 0 : index
    %swap3A_141 = arith.constant 0 : index
    %swap3A_142 = vector.load %arg15[%swap3A_140, %swap3A_141] : memref<256x1024xf32, #tpu.memory_space<vmem>>, vector<256x1024xf32>
    tpu.vector_store %arg15[%swap3A_140, %swap3A_141], %div3A_139 {strides = array<i32>} : memref<256x1024xf32, #tpu.memory_space<vmem>>, vector<256x1024xf32>,
    return
  }
  func.func @transform_0(%arg0: i32) -> (i32, i32) {
    %c0_i32 = arith.constant 0 : i32
    %c0_i32_0 = arith.constant 0 : i32
    return %arg0, %c0_i32 : i32, i32
  }
  func.func @transform_1(%arg0: i32) -> (i32, i32) {
    %c0_i32 = arith.constant 0 : i32
    %c0_i32_0 = arith.constant 0 : i32
    %c0_i32_1 = arith.constant 0 : i32
    return %c0_i32, %c0_i32_0 : i32, i32
  }
  func.func @transform_2(%arg0: i32) -> (i32, i32) {
    %c0_i32 = arith.constant 0 : i32
    %c0_i32_0 = arith.constant 0 : i32
    %c0_i32_1 = arith.constant 0 : i32
    return %c0_i32, %c0_i32_0 : i32, i32
  }
  func.func @transform_3(%arg0: i32) -> (i32, i32) {
    %c0_i32 = arith.constant 0 : i32
    %c0_i32_0 = arith.constant 0 : i32
    %c0_i32_1 = arith.constant 0 : i32
    return %c0_i32, %c0_i32_0 : i32, i32
  }
  func.func @transform_4(%arg0: i32) -> (i32, i32) {
    %c0_i32 = arith.constant 0 : i32
    %c0_i32_0 = arith.constant 0 : i32
    %c0_i32_1 = arith.constant 0 : i32
    return %c0_i32, %c0_i32_0 : i32, i32
  }
  func.func @transform_5(%arg0: i32) -> (i32, i32) {
    %c0_i32 = arith.constant 0 : i32
    %c0_i32_0 = arith.constant 0 : i32
    %c0_i32_1 = arith.constant 0 : i32
    return %c0_i32, %c0_i32_0 : i32, i32
  }
  func.func @transform_6(%arg0: i32) -> (i32, i32) {
    %c0_i32 = arith.constant 0 : i32
    %c0_i32_0 = arith.constant 0 : i32
    %c0_i32_1 = arith.constant 0 : i32
    return %c0_i32, %c0_i32_0 : i32, i32
  }
  func.func @transform_7(%arg0: i32) -> (i32, i32) {
    %c0_i32 = arith.constant 0 : i32
    %c0_i32_0 = arith.constant 0 : i32
    %c0_i32_1 = arith.constant 0 : i32
    return %c0_i32, %c0_i32_0 : i32, i32
  }
  func.func @transform_8(%arg0: i32) -> (i32, i32) {
    %c0_i32 = arith.constant 0 : i32
    %c0_i32_0 = arith.constant 0 : i32
    %c0_i32_1 = arith.constant 0 : i32
    return %c0_i32, %c0_i32_0 : i32, i32
  }
  func.func @transform_9(%arg0: i32) -> (i32, i32) {
    %c0_i32 = arith.constant 0 : i32
    %c0_i32_0 = arith.constant 0 : i32
    %c0_i32_1 = arith.constant 0 : i32
    return %c0_i32, %c0_i32_0 : i32, i32
  }
  func.func @transform_10(%arg0: i32) -> (i32, i32) {
    %c0_i32 = arith.constant 0 : i32
    %c0_i32_0 = arith.constant 0 : i32
    %c0_i32_1 = arith.constant 0 : i32
    return %c0_i32, %c0_i32_0 : i32, i32
  }
  func.func @transform_11(%arg0: i32) -> (i32, i32) {
    %c0_i32 = arith.constant 0 : i32
    %c0_i32_0 = arith.constant 0 : i32
    %c0_i32_1 = arith.constant 0 : i32
    return %c0_i32, %c0_i32_0 : i32, i32
  }
  func.func @transform_12(%arg0: i32) -> (i32, i32) {
    %c0_i32 = arith.constant 0 : i32
    %c0_i32_0 = arith.constant 0 : i32
    %c0_i32_1 = arith.constant 0 : i32
    return %c0_i32, %c0_i32_0 : i32, i32
  }
  func.func @transform_13(%arg0: i32) -> (i32, i32) {
    %c0_i32 = arith.constant 0 : i32
    %c0_i32_0 = arith.constant 0 : i32
    return %arg0, %c0_i32 : i32, i32
  }
  func.func @transform_14(%arg0: i32) -> (i32, i32) {
    %c0_i32 = arith.constant 0 : i32
    %c0_i32_0 = arith.constant 0 : i32
    return %arg0, %c0_i32 : i32, i32
  }
}

module attributes {stable_mosaic.version = 14 : i64} {
  func.func @_mix_body(%arg0: i32, %arg1: memref<9xi32, #tpu.memory_space<smem>>, %arg2: memref<256x1024xf32, #tpu.memory_space<vmem>>, %arg3: memref<256x256xf32, #tpu.memory_space<vmem>>, %arg4: memref<8192x256xf32, #tpu.memory_space<vmem>>, %arg5: memref<1024x256xf32, #tpu.memory_space<vmem>>, %arg6: memref<256x256xf32, #tpu.memory_space<vmem>>) attributes {dimension_semantics = [#tpu.dimension_semantics<arbitrary>], iteration_bounds = array<i64: 8>, scalar_prefetch = 1 : i64, scratch_operands = 0 : i64, tpu.core_type = #tpu.core_type<tc>, window_params = [{transform_indices = @transform_0, window_bounds = array<i64: 256, 1024>}, {transform_indices = @transform_1, window_bounds = array<i64: 256, 256>}, {pipeline_mode = #tpu.pipeline_mode<synchronous>, transform_indices = @transform_2, window_bounds = array<i64: 8192, 256>}, {pipeline_mode = #tpu.pipeline_mode<synchronous>, transform_indices = @transform_3, window_bounds = array<i64: 1024, 256>}, {transform_indices = @transform_4, window_bounds = array<i64: 256, 256>}]} {
    %mul3A = arith.constant 256 : i32
    %mul3A_0 = arith.muli %arg0, %mul3A : i32
    %get3A = arith.constant 0 : index
    %get3A_1 = arith.constant 0 : index
    %get3A_2 = vector.load %arg2[%get3A, %get3A_1] : memref<256x1024xf32, #tpu.memory_space<vmem>>, vector<256x1024xf32>
    %get3A_3 = arith.constant 0 : index
    %get3A_4 = arith.constant 0 : index
    %get3A_5 = vector.load %arg5[%get3A_3, %get3A_4] : memref<1024x256xf32, #tpu.memory_space<vmem>>, vector<1024x256xf32>
    %iota3A = tpu.iota {dimensions = array<i32: 0>} : vector<256x1xi32>
    %add3A = vector.broadcast %mul3A_0 : i32 to vector<256x1xi32>
    %add3A_6 = arith.addi %add3A, %iota3A : vector<256x1xi32>
    %get3A_7 = arith.constant 0 : index
    %get3A_8 = arith.constant 0 : index
    %get3A_9 = vector.load %arg3[%get3A_7, %get3A_8] : memref<256x256xf32, #tpu.memory_space<vmem>>, vector<256x256xf32>
    %swap3A = arith.constant 0 : index
    %swap3A_10 = arith.constant 0 : index
    %swap3A_11 = vector.load %arg6[%swap3A, %swap3A_10] : memref<256x256xf32, #tpu.memory_space<vmem>>, vector<256x256xf32>
    tpu.vector_store %arg6[%swap3A, %swap3A_10], %get3A_9 {strides = array<i32>} : memref<256x256xf32, #tpu.memory_space<vmem>>, vector<256x256xf32>,
    %get3A_12 = arith.constant 0 : index
    %get3A_13 = memref.load %arg1[%get3A_12] : memref<9xi32, #tpu.memory_space<smem>>
    %get3A_14 = arith.constant 1 : index
    %get3A_15 = memref.load %arg1[%get3A_14] : memref<9xi32, #tpu.memory_space<smem>>
    %gt3A = arith.cmpi sgt, %get3A_15, %mul3A_0 : i32
    %add3A_16 = arith.constant 256 : i32
    %add3A_17 = arith.addi %mul3A_0, %add3A_16 : i32
    %lt3A = arith.cmpi slt, %get3A_13, %add3A_17 : i32
    %and3A = arith.andi %gt3A, %lt3A : i1
    %convert_element_type3A = arith.extui %and3A : i1 to i32
    %cond3A = arith.constant 0 : i32
    %cond3A_18 = arith.cmpi ne, %convert_element_type3A, %cond3A : i32
    scf.if %cond3A_18 {
      %ge3A = vector.broadcast %get3A_13 : i32 to vector<256x1xi32>
      %ge3A_103 = arith.cmpi sge, %add3A_6, %ge3A : vector<256x1xi32>
      %lt3A_104 = vector.broadcast %get3A_15 : i32 to vector<256x1xi32>
      %lt3A_105 = arith.cmpi slt, %add3A_6, %lt3A_104 : vector<256x1xi32>
      %and3A_106 = arith.andi %ge3A_103, %lt3A_105 : vector<256x1xi1>
      %convert_element_type3A_107 = arith.extui %and3A_106 : vector<256x1xi1> to vector<256x1xi32>
      %convert_element_type3A_108 = arith.sitofp %convert_element_type3A_107 : vector<256x1xi32> to vector<256x1xf32>
      %get3A_109 = arith.constant 0 : index
      %get3A_110 = arith.constant 0 : index
      %get3A_111 = vector.load %arg4[%get3A_109, %get3A_110] : memref<8192x256xf32, #tpu.memory_space<vmem>>, vector<1024x256xf32>
      %mul3A_112 = arith.constant 6.000000e-01 : f32
      %mul3A_113 = vector.broadcast %mul3A_112 : f32 to vector<1024x256xf32>
      %mul3A_114 = arith.mulf %mul3A_113, %get3A_111 : vector<1024x256xf32>
      %mul3A_115 = arith.constant 4.000000e-01 : f32
      %mul3A_116 = vector.broadcast %mul3A_115 : f32 to vector<1024x256xf32>
      %mul3A_117 = arith.mulf %mul3A_116, %get3A_5 : vector<1024x256xf32>
      %add3A_118 = arith.addf %mul3A_114, %mul3A_117 : vector<1024x256xf32>
      %get3A_119 = arith.constant 0 : index
      %get3A_120 = arith.constant 0 : index
      %get3A_121 = vector.load %arg6[%get3A_119, %get3A_120] : memref<256x256xf32, #tpu.memory_space<vmem>>, vector<256x256xf32>
      %mul3A_122 = vector.broadcast %convert_element_type3A_108 : vector<256x1xf32> to vector<256x1024xf32>
      %mul3A_123 = arith.mulf %get3A_2, %mul3A_122 : vector<256x1024xf32>
      %dot_general3A = arith.constant dense<0.000000e+00> : vector<256x256xf32>
      %dot_general3A_124 = tpu.matmul %mul3A_123, %add3A_118, %dot_general3A {dimension_numbers = #tpu.dot_dimension_numbers<[1], [0], [0], [1], [0, 0, 1, 1], [], []>, transpose_lhs_hint = false} : vector<256x1024xf32>, vector<1024x256xf32>, vector<256x256xf32> -> vector<256x256xf32>
      %mul3A_125 = arith.constant 2.000000e-01 : f32
      %mul3A_126 = vector.broadcast %mul3A_125 : f32 to vector<256x256xf32>
      %mul3A_127 = arith.mulf %mul3A_126, %dot_general3A_124 : vector<256x256xf32>
      %add3A_128 = arith.addf %get3A_121, %mul3A_127 : vector<256x256xf32>
      %swap3A_129 = arith.constant 0 : index
      %swap3A_130 = arith.constant 0 : index
      %swap3A_131 = vector.load %arg6[%swap3A_129, %swap3A_130] : memref<256x256xf32, #tpu.memory_space<vmem>>, vector<256x256xf32>
      tpu.vector_store %arg6[%swap3A_129, %swap3A_130], %add3A_128 {strides = array<i32>} : memref<256x256xf32, #tpu.memory_space<vmem>>, vector<256x256xf32>,
    } else {
    }
    %get3A_19 = arith.constant 1 : index
    %get3A_20 = memref.load %arg1[%get3A_19] : memref<9xi32, #tpu.memory_space<smem>>
    %get3A_21 = arith.constant 2 : index
    %get3A_22 = memref.load %arg1[%get3A_21] : memref<9xi32, #tpu.memory_space<smem>>
    %gt3A_23 = arith.cmpi sgt, %get3A_22, %mul3A_0 : i32
    %add3A_24 = arith.constant 256 : i32
    %add3A_25 = arith.addi %mul3A_0, %add3A_24 : i32
    %lt3A_26 = arith.cmpi slt, %get3A_20, %add3A_25 : i32
    %and3A_27 = arith.andi %gt3A_23, %lt3A_26 : i1
    %convert_element_type3A_28 = arith.extui %and3A_27 : i1 to i32
    %cond3A_29 = arith.constant 0 : i32
    %cond3A_30 = arith.cmpi ne, %convert_element_type3A_28, %cond3A_29 : i32
    scf.if %cond3A_30 {
      %ge3A = vector.broadcast %get3A_20 : i32 to vector<256x1xi32>
      %ge3A_103 = arith.cmpi sge, %add3A_6, %ge3A : vector<256x1xi32>
      %lt3A_104 = vector.broadcast %get3A_22 : i32 to vector<256x1xi32>
      %lt3A_105 = arith.cmpi slt, %add3A_6, %lt3A_104 : vector<256x1xi32>
      %and3A_106 = arith.andi %ge3A_103, %lt3A_105 : vector<256x1xi1>
      %convert_element_type3A_107 = arith.extui %and3A_106 : vector<256x1xi1> to vector<256x1xi32>
      %convert_element_type3A_108 = arith.sitofp %convert_element_type3A_107 : vector<256x1xi32> to vector<256x1xf32>
      %get3A_109 = arith.constant 1024 : index
      %get3A_110 = arith.constant 0 : index
      %get3A_111 = vector.load %arg4[%get3A_109, %get3A_110] : memref<8192x256xf32, #tpu.memory_space<vmem>>, vector<1024x256xf32>
      %mul3A_112 = arith.constant 6.000000e-01 : f32
      %mul3A_113 = vector.broadcast %mul3A_112 : f32 to vector<1024x256xf32>
      %mul3A_114 = arith.mulf %mul3A_113, %get3A_111 : vector<1024x256xf32>
      %mul3A_115 = arith.constant 4.000000e-01 : f32
      %mul3A_116 = vector.broadcast %mul3A_115 : f32 to vector<1024x256xf32>
      %mul3A_117 = arith.mulf %mul3A_116, %get3A_5 : vector<1024x256xf32>
      %add3A_118 = arith.addf %mul3A_114, %mul3A_117 : vector<1024x256xf32>
      %get3A_119 = arith.constant 0 : index
      %get3A_120 = arith.constant 0 : index
      %get3A_121 = vector.load %arg6[%get3A_119, %get3A_120] : memref<256x256xf32, #tpu.memory_space<vmem>>, vector<256x256xf32>
      %mul3A_122 = vector.broadcast %convert_element_type3A_108 : vector<256x1xf32> to vector<256x1024xf32>
      %mul3A_123 = arith.mulf %get3A_2, %mul3A_122 : vector<256x1024xf32>
      %dot_general3A = arith.constant dense<0.000000e+00> : vector<256x256xf32>
      %dot_general3A_124 = tpu.matmul %mul3A_123, %add3A_118, %dot_general3A {dimension_numbers = #tpu.dot_dimension_numbers<[1], [0], [0], [1], [0, 0, 1, 1], [], []>, transpose_lhs_hint = false} : vector<256x1024xf32>, vector<1024x256xf32>, vector<256x256xf32> -> vector<256x256xf32>
      %mul3A_125 = arith.constant 2.000000e-01 : f32
      %mul3A_126 = vector.broadcast %mul3A_125 : f32 to vector<256x256xf32>
      %mul3A_127 = arith.mulf %mul3A_126, %dot_general3A_124 : vector<256x256xf32>
      %add3A_128 = arith.addf %get3A_121, %mul3A_127 : vector<256x256xf32>
      %swap3A_129 = arith.constant 0 : index
      %swap3A_130 = arith.constant 0 : index
      %swap3A_131 = vector.load %arg6[%swap3A_129, %swap3A_130] : memref<256x256xf32, #tpu.memory_space<vmem>>, vector<256x256xf32>
      tpu.vector_store %arg6[%swap3A_129, %swap3A_130], %add3A_128 {strides = array<i32>} : memref<256x256xf32, #tpu.memory_space<vmem>>, vector<256x256xf32>,
    } else {
    }
    %get3A_31 = arith.constant 2 : index
    %get3A_32 = memref.load %arg1[%get3A_31] : memref<9xi32, #tpu.memory_space<smem>>
    %get3A_33 = arith.constant 3 : index
    %get3A_34 = memref.load %arg1[%get3A_33] : memref<9xi32, #tpu.memory_space<smem>>
    %gt3A_35 = arith.cmpi sgt, %get3A_34, %mul3A_0 : i32
    %add3A_36 = arith.constant 256 : i32
    %add3A_37 = arith.addi %mul3A_0, %add3A_36 : i32
    %lt3A_38 = arith.cmpi slt, %get3A_32, %add3A_37 : i32
    %and3A_39 = arith.andi %gt3A_35, %lt3A_38 : i1
    %convert_element_type3A_40 = arith.extui %and3A_39 : i1 to i32
    %cond3A_41 = arith.constant 0 : i32
    %cond3A_42 = arith.cmpi ne, %convert_element_type3A_40, %cond3A_41 : i32
    scf.if %cond3A_42 {
      %ge3A = vector.broadcast %get3A_32 : i32 to vector<256x1xi32>
      %ge3A_103 = arith.cmpi sge, %add3A_6, %ge3A : vector<256x1xi32>
      %lt3A_104 = vector.broadcast %get3A_34 : i32 to vector<256x1xi32>
      %lt3A_105 = arith.cmpi slt, %add3A_6, %lt3A_104 : vector<256x1xi32>
      %and3A_106 = arith.andi %ge3A_103, %lt3A_105 : vector<256x1xi1>
      %convert_element_type3A_107 = arith.extui %and3A_106 : vector<256x1xi1> to vector<256x1xi32>
      %convert_element_type3A_108 = arith.sitofp %convert_element_type3A_107 : vector<256x1xi32> to vector<256x1xf32>
      %get3A_109 = arith.constant 2048 : index
      %get3A_110 = arith.constant 0 : index
      %get3A_111 = vector.load %arg4[%get3A_109, %get3A_110] : memref<8192x256xf32, #tpu.memory_space<vmem>>, vector<1024x256xf32>
      %mul3A_112 = arith.constant 6.000000e-01 : f32
      %mul3A_113 = vector.broadcast %mul3A_112 : f32 to vector<1024x256xf32>
      %mul3A_114 = arith.mulf %mul3A_113, %get3A_111 : vector<1024x256xf32>
      %mul3A_115 = arith.constant 4.000000e-01 : f32
      %mul3A_116 = vector.broadcast %mul3A_115 : f32 to vector<1024x256xf32>
      %mul3A_117 = arith.mulf %mul3A_116, %get3A_5 : vector<1024x256xf32>
      %add3A_118 = arith.addf %mul3A_114, %mul3A_117 : vector<1024x256xf32>
      %get3A_119 = arith.constant 0 : index
      %get3A_120 = arith.constant 0 : index
      %get3A_121 = vector.load %arg6[%get3A_119, %get3A_120] : memref<256x256xf32, #tpu.memory_space<vmem>>, vector<256x256xf32>
      %mul3A_122 = vector.broadcast %convert_element_type3A_108 : vector<256x1xf32> to vector<256x1024xf32>
      %mul3A_123 = arith.mulf %get3A_2, %mul3A_122 : vector<256x1024xf32>
      %dot_general3A = arith.constant dense<0.000000e+00> : vector<256x256xf32>
      %dot_general3A_124 = tpu.matmul %mul3A_123, %add3A_118, %dot_general3A {dimension_numbers = #tpu.dot_dimension_numbers<[1], [0], [0], [1], [0, 0, 1, 1], [], []>, transpose_lhs_hint = false} : vector<256x1024xf32>, vector<1024x256xf32>, vector<256x256xf32> -> vector<256x256xf32>
      %mul3A_125 = arith.constant 2.000000e-01 : f32
      %mul3A_126 = vector.broadcast %mul3A_125 : f32 to vector<256x256xf32>
      %mul3A_127 = arith.mulf %mul3A_126, %dot_general3A_124 : vector<256x256xf32>
      %add3A_128 = arith.addf %get3A_121, %mul3A_127 : vector<256x256xf32>
      %swap3A_129 = arith.constant 0 : index
      %swap3A_130 = arith.constant 0 : index
      %swap3A_131 = vector.load %arg6[%swap3A_129, %swap3A_130] : memref<256x256xf32, #tpu.memory_space<vmem>>, vector<256x256xf32>
      tpu.vector_store %arg6[%swap3A_129, %swap3A_130], %add3A_128 {strides = array<i32>} : memref<256x256xf32, #tpu.memory_space<vmem>>, vector<256x256xf32>,
    } else {
    }
    %get3A_43 = arith.constant 3 : index
    %get3A_44 = memref.load %arg1[%get3A_43] : memref<9xi32, #tpu.memory_space<smem>>
    %get3A_45 = arith.constant 4 : index
    %get3A_46 = memref.load %arg1[%get3A_45] : memref<9xi32, #tpu.memory_space<smem>>
    %gt3A_47 = arith.cmpi sgt, %get3A_46, %mul3A_0 : i32
    %add3A_48 = arith.constant 256 : i32
    %add3A_49 = arith.addi %mul3A_0, %add3A_48 : i32
    %lt3A_50 = arith.cmpi slt, %get3A_44, %add3A_49 : i32
    %and3A_51 = arith.andi %gt3A_47, %lt3A_50 : i1
    %convert_element_type3A_52 = arith.extui %and3A_51 : i1 to i32
    %cond3A_53 = arith.constant 0 : i32
    %cond3A_54 = arith.cmpi ne, %convert_element_type3A_52, %cond3A_53 : i32
    scf.if %cond3A_54 {
      %ge3A = vector.broadcast %get3A_44 : i32 to vector<256x1xi32>
      %ge3A_103 = arith.cmpi sge, %add3A_6, %ge3A : vector<256x1xi32>
      %lt3A_104 = vector.broadcast %get3A_46 : i32 to vector<256x1xi32>
      %lt3A_105 = arith.cmpi slt, %add3A_6, %lt3A_104 : vector<256x1xi32>
      %and3A_106 = arith.andi %ge3A_103, %lt3A_105 : vector<256x1xi1>
      %convert_element_type3A_107 = arith.extui %and3A_106 : vector<256x1xi1> to vector<256x1xi32>
      %convert_element_type3A_108 = arith.sitofp %convert_element_type3A_107 : vector<256x1xi32> to vector<256x1xf32>
      %get3A_109 = arith.constant 3072 : index
      %get3A_110 = arith.constant 0 : index
      %get3A_111 = vector.load %arg4[%get3A_109, %get3A_110] : memref<8192x256xf32, #tpu.memory_space<vmem>>, vector<1024x256xf32>
      %mul3A_112 = arith.constant 6.000000e-01 : f32
      %mul3A_113 = vector.broadcast %mul3A_112 : f32 to vector<1024x256xf32>
      %mul3A_114 = arith.mulf %mul3A_113, %get3A_111 : vector<1024x256xf32>
      %mul3A_115 = arith.constant 4.000000e-01 : f32
      %mul3A_116 = vector.broadcast %mul3A_115 : f32 to vector<1024x256xf32>
      %mul3A_117 = arith.mulf %mul3A_116, %get3A_5 : vector<1024x256xf32>
      %add3A_118 = arith.addf %mul3A_114, %mul3A_117 : vector<1024x256xf32>
      %get3A_119 = arith.constant 0 : index
      %get3A_120 = arith.constant 0 : index
      %get3A_121 = vector.load %arg6[%get3A_119, %get3A_120] : memref<256x256xf32, #tpu.memory_space<vmem>>, vector<256x256xf32>
      %mul3A_122 = vector.broadcast %convert_element_type3A_108 : vector<256x1xf32> to vector<256x1024xf32>
      %mul3A_123 = arith.mulf %get3A_2, %mul3A_122 : vector<256x1024xf32>
      %dot_general3A = arith.constant dense<0.000000e+00> : vector<256x256xf32>
      %dot_general3A_124 = tpu.matmul %mul3A_123, %add3A_118, %dot_general3A {dimension_numbers = #tpu.dot_dimension_numbers<[1], [0], [0], [1], [0, 0, 1, 1], [], []>, transpose_lhs_hint = false} : vector<256x1024xf32>, vector<1024x256xf32>, vector<256x256xf32> -> vector<256x256xf32>
      %mul3A_125 = arith.constant 2.000000e-01 : f32
      %mul3A_126 = vector.broadcast %mul3A_125 : f32 to vector<256x256xf32>
      %mul3A_127 = arith.mulf %mul3A_126, %dot_general3A_124 : vector<256x256xf32>
      %add3A_128 = arith.addf %get3A_121, %mul3A_127 : vector<256x256xf32>
      %swap3A_129 = arith.constant 0 : index
      %swap3A_130 = arith.constant 0 : index
      %swap3A_131 = vector.load %arg6[%swap3A_129, %swap3A_130] : memref<256x256xf32, #tpu.memory_space<vmem>>, vector<256x256xf32>
      tpu.vector_store %arg6[%swap3A_129, %swap3A_130], %add3A_128 {strides = array<i32>} : memref<256x256xf32, #tpu.memory_space<vmem>>, vector<256x256xf32>,
    } else {
    }
    %get3A_55 = arith.constant 4 : index
    %get3A_56 = memref.load %arg1[%get3A_55] : memref<9xi32, #tpu.memory_space<smem>>
    %get3A_57 = arith.constant 5 : index
    %get3A_58 = memref.load %arg1[%get3A_57] : memref<9xi32, #tpu.memory_space<smem>>
    %gt3A_59 = arith.cmpi sgt, %get3A_58, %mul3A_0 : i32
    %add3A_60 = arith.constant 256 : i32
    %add3A_61 = arith.addi %mul3A_0, %add3A_60 : i32
    %lt3A_62 = arith.cmpi slt, %get3A_56, %add3A_61 : i32
    %and3A_63 = arith.andi %gt3A_59, %lt3A_62 : i1
    %convert_element_type3A_64 = arith.extui %and3A_63 : i1 to i32
    %cond3A_65 = arith.constant 0 : i32
    %cond3A_66 = arith.cmpi ne, %convert_element_type3A_64, %cond3A_65 : i32
    scf.if %cond3A_66 {
      %ge3A = vector.broadcast %get3A_56 : i32 to vector<256x1xi32>
      %ge3A_103 = arith.cmpi sge, %add3A_6, %ge3A : vector<256x1xi32>
      %lt3A_104 = vector.broadcast %get3A_58 : i32 to vector<256x1xi32>
      %lt3A_105 = arith.cmpi slt, %add3A_6, %lt3A_104 : vector<256x1xi32>
      %and3A_106 = arith.andi %ge3A_103, %lt3A_105 : vector<256x1xi1>
      %convert_element_type3A_107 = arith.extui %and3A_106 : vector<256x1xi1> to vector<256x1xi32>
      %convert_element_type3A_108 = arith.sitofp %convert_element_type3A_107 : vector<256x1xi32> to vector<256x1xf32>
      %get3A_109 = arith.constant 4096 : index
      %get3A_110 = arith.constant 0 : index
      %get3A_111 = vector.load %arg4[%get3A_109, %get3A_110] : memref<8192x256xf32, #tpu.memory_space<vmem>>, vector<1024x256xf32>
      %mul3A_112 = arith.constant 6.000000e-01 : f32
      %mul3A_113 = vector.broadcast %mul3A_112 : f32 to vector<1024x256xf32>
      %mul3A_114 = arith.mulf %mul3A_113, %get3A_111 : vector<1024x256xf32>
      %mul3A_115 = arith.constant 4.000000e-01 : f32
      %mul3A_116 = vector.broadcast %mul3A_115 : f32 to vector<1024x256xf32>
      %mul3A_117 = arith.mulf %mul3A_116, %get3A_5 : vector<1024x256xf32>
      %add3A_118 = arith.addf %mul3A_114, %mul3A_117 : vector<1024x256xf32>
      %get3A_119 = arith.constant 0 : index
      %get3A_120 = arith.constant 0 : index
      %get3A_121 = vector.load %arg6[%get3A_119, %get3A_120] : memref<256x256xf32, #tpu.memory_space<vmem>>, vector<256x256xf32>
      %mul3A_122 = vector.broadcast %convert_element_type3A_108 : vector<256x1xf32> to vector<256x1024xf32>
      %mul3A_123 = arith.mulf %get3A_2, %mul3A_122 : vector<256x1024xf32>
      %dot_general3A = arith.constant dense<0.000000e+00> : vector<256x256xf32>
      %dot_general3A_124 = tpu.matmul %mul3A_123, %add3A_118, %dot_general3A {dimension_numbers = #tpu.dot_dimension_numbers<[1], [0], [0], [1], [0, 0, 1, 1], [], []>, transpose_lhs_hint = false} : vector<256x1024xf32>, vector<1024x256xf32>, vector<256x256xf32> -> vector<256x256xf32>
      %mul3A_125 = arith.constant 2.000000e-01 : f32
      %mul3A_126 = vector.broadcast %mul3A_125 : f32 to vector<256x256xf32>
      %mul3A_127 = arith.mulf %mul3A_126, %dot_general3A_124 : vector<256x256xf32>
      %add3A_128 = arith.addf %get3A_121, %mul3A_127 : vector<256x256xf32>
      %swap3A_129 = arith.constant 0 : index
      %swap3A_130 = arith.constant 0 : index
      %swap3A_131 = vector.load %arg6[%swap3A_129, %swap3A_130] : memref<256x256xf32, #tpu.memory_space<vmem>>, vector<256x256xf32>
      tpu.vector_store %arg6[%swap3A_129, %swap3A_130], %add3A_128 {strides = array<i32>} : memref<256x256xf32, #tpu.memory_space<vmem>>, vector<256x256xf32>,
    } else {
    }
    %get3A_67 = arith.constant 5 : index
    %get3A_68 = memref.load %arg1[%get3A_67] : memref<9xi32, #tpu.memory_space<smem>>
    %get3A_69 = arith.constant 6 : index
    %get3A_70 = memref.load %arg1[%get3A_69] : memref<9xi32, #tpu.memory_space<smem>>
    %gt3A_71 = arith.cmpi sgt, %get3A_70, %mul3A_0 : i32
    %add3A_72 = arith.constant 256 : i32
    %add3A_73 = arith.addi %mul3A_0, %add3A_72 : i32
    %lt3A_74 = arith.cmpi slt, %get3A_68, %add3A_73 : i32
    %and3A_75 = arith.andi %gt3A_71, %lt3A_74 : i1
    %convert_element_type3A_76 = arith.extui %and3A_75 : i1 to i32
    %cond3A_77 = arith.constant 0 : i32
    %cond3A_78 = arith.cmpi ne, %convert_element_type3A_76, %cond3A_77 : i32
    scf.if %cond3A_78 {
      %ge3A = vector.broadcast %get3A_68 : i32 to vector<256x1xi32>
      %ge3A_103 = arith.cmpi sge, %add3A_6, %ge3A : vector<256x1xi32>
      %lt3A_104 = vector.broadcast %get3A_70 : i32 to vector<256x1xi32>
      %lt3A_105 = arith.cmpi slt, %add3A_6, %lt3A_104 : vector<256x1xi32>
      %and3A_106 = arith.andi %ge3A_103, %lt3A_105 : vector<256x1xi1>
      %convert_element_type3A_107 = arith.extui %and3A_106 : vector<256x1xi1> to vector<256x1xi32>
      %convert_element_type3A_108 = arith.sitofp %convert_element_type3A_107 : vector<256x1xi32> to vector<256x1xf32>
      %get3A_109 = arith.constant 5120 : index
      %get3A_110 = arith.constant 0 : index
      %get3A_111 = vector.load %arg4[%get3A_109, %get3A_110] : memref<8192x256xf32, #tpu.memory_space<vmem>>, vector<1024x256xf32>
      %mul3A_112 = arith.constant 6.000000e-01 : f32
      %mul3A_113 = vector.broadcast %mul3A_112 : f32 to vector<1024x256xf32>
      %mul3A_114 = arith.mulf %mul3A_113, %get3A_111 : vector<1024x256xf32>
      %mul3A_115 = arith.constant 4.000000e-01 : f32
      %mul3A_116 = vector.broadcast %mul3A_115 : f32 to vector<1024x256xf32>
      %mul3A_117 = arith.mulf %mul3A_116, %get3A_5 : vector<1024x256xf32>
      %add3A_118 = arith.addf %mul3A_114, %mul3A_117 : vector<1024x256xf32>
      %get3A_119 = arith.constant 0 : index
      %get3A_120 = arith.constant 0 : index
      %get3A_121 = vector.load %arg6[%get3A_119, %get3A_120] : memref<256x256xf32, #tpu.memory_space<vmem>>, vector<256x256xf32>
      %mul3A_122 = vector.broadcast %convert_element_type3A_108 : vector<256x1xf32> to vector<256x1024xf32>
      %mul3A_123 = arith.mulf %get3A_2, %mul3A_122 : vector<256x1024xf32>
      %dot_general3A = arith.constant dense<0.000000e+00> : vector<256x256xf32>
      %dot_general3A_124 = tpu.matmul %mul3A_123, %add3A_118, %dot_general3A {dimension_numbers = #tpu.dot_dimension_numbers<[1], [0], [0], [1], [0, 0, 1, 1], [], []>, transpose_lhs_hint = false} : vector<256x1024xf32>, vector<1024x256xf32>, vector<256x256xf32> -> vector<256x256xf32>
      %mul3A_125 = arith.constant 2.000000e-01 : f32
      %mul3A_126 = vector.broadcast %mul3A_125 : f32 to vector<256x256xf32>
      %mul3A_127 = arith.mulf %mul3A_126, %dot_general3A_124 : vector<256x256xf32>
      %add3A_128 = arith.addf %get3A_121, %mul3A_127 : vector<256x256xf32>
      %swap3A_129 = arith.constant 0 : index
      %swap3A_130 = arith.constant 0 : index
      %swap3A_131 = vector.load %arg6[%swap3A_129, %swap3A_130] : memref<256x256xf32, #tpu.memory_space<vmem>>, vector<256x256xf32>
      tpu.vector_store %arg6[%swap3A_129, %swap3A_130], %add3A_128 {strides = array<i32>} : memref<256x256xf32, #tpu.memory_space<vmem>>, vector<256x256xf32>,
    } else {
    }
    %get3A_79 = arith.constant 6 : index
    %get3A_80 = memref.load %arg1[%get3A_79] : memref<9xi32, #tpu.memory_space<smem>>
    %get3A_81 = arith.constant 7 : index
    %get3A_82 = memref.load %arg1[%get3A_81] : memref<9xi32, #tpu.memory_space<smem>>
    %gt3A_83 = arith.cmpi sgt, %get3A_82, %mul3A_0 : i32
    %add3A_84 = arith.constant 256 : i32
    %add3A_85 = arith.addi %mul3A_0, %add3A_84 : i32
    %lt3A_86 = arith.cmpi slt, %get3A_80, %add3A_85 : i32
    %and3A_87 = arith.andi %gt3A_83, %lt3A_86 : i1
    %convert_element_type3A_88 = arith.extui %and3A_87 : i1 to i32
    %cond3A_89 = arith.constant 0 : i32
    %cond3A_90 = arith.cmpi ne, %convert_element_type3A_88, %cond3A_89 : i32
    scf.if %cond3A_90 {
      %ge3A = vector.broadcast %get3A_80 : i32 to vector<256x1xi32>
      %ge3A_103 = arith.cmpi sge, %add3A_6, %ge3A : vector<256x1xi32>
      %lt3A_104 = vector.broadcast %get3A_82 : i32 to vector<256x1xi32>
      %lt3A_105 = arith.cmpi slt, %add3A_6, %lt3A_104 : vector<256x1xi32>
      %and3A_106 = arith.andi %ge3A_103, %lt3A_105 : vector<256x1xi1>
      %convert_element_type3A_107 = arith.extui %and3A_106 : vector<256x1xi1> to vector<256x1xi32>
      %convert_element_type3A_108 = arith.sitofp %convert_element_type3A_107 : vector<256x1xi32> to vector<256x1xf32>
      %get3A_109 = arith.constant 6144 : index
      %get3A_110 = arith.constant 0 : index
      %get3A_111 = vector.load %arg4[%get3A_109, %get3A_110] : memref<8192x256xf32, #tpu.memory_space<vmem>>, vector<1024x256xf32>
      %mul3A_112 = arith.constant 6.000000e-01 : f32
      %mul3A_113 = vector.broadcast %mul3A_112 : f32 to vector<1024x256xf32>
      %mul3A_114 = arith.mulf %mul3A_113, %get3A_111 : vector<1024x256xf32>
      %mul3A_115 = arith.constant 4.000000e-01 : f32
      %mul3A_116 = vector.broadcast %mul3A_115 : f32 to vector<1024x256xf32>
      %mul3A_117 = arith.mulf %mul3A_116, %get3A_5 : vector<1024x256xf32>
      %add3A_118 = arith.addf %mul3A_114, %mul3A_117 : vector<1024x256xf32>
      %get3A_119 = arith.constant 0 : index
      %get3A_120 = arith.constant 0 : index
      %get3A_121 = vector.load %arg6[%get3A_119, %get3A_120] : memref<256x256xf32, #tpu.memory_space<vmem>>, vector<256x256xf32>
      %mul3A_122 = vector.broadcast %convert_element_type3A_108 : vector<256x1xf32> to vector<256x1024xf32>
      %mul3A_123 = arith.mulf %get3A_2, %mul3A_122 : vector<256x1024xf32>
      %dot_general3A = arith.constant dense<0.000000e+00> : vector<256x256xf32>
      %dot_general3A_124 = tpu.matmul %mul3A_123, %add3A_118, %dot_general3A {dimension_numbers = #tpu.dot_dimension_numbers<[1], [0], [0], [1], [0, 0, 1, 1], [], []>, transpose_lhs_hint = false} : vector<256x1024xf32>, vector<1024x256xf32>, vector<256x256xf32> -> vector<256x256xf32>
      %mul3A_125 = arith.constant 2.000000e-01 : f32
      %mul3A_126 = vector.broadcast %mul3A_125 : f32 to vector<256x256xf32>
      %mul3A_127 = arith.mulf %mul3A_126, %dot_general3A_124 : vector<256x256xf32>
      %add3A_128 = arith.addf %get3A_121, %mul3A_127 : vector<256x256xf32>
      %swap3A_129 = arith.constant 0 : index
      %swap3A_130 = arith.constant 0 : index
      %swap3A_131 = vector.load %arg6[%swap3A_129, %swap3A_130] : memref<256x256xf32, #tpu.memory_space<vmem>>, vector<256x256xf32>
      tpu.vector_store %arg6[%swap3A_129, %swap3A_130], %add3A_128 {strides = array<i32>} : memref<256x256xf32, #tpu.memory_space<vmem>>, vector<256x256xf32>,
    } else {
    }
    %get3A_91 = arith.constant 7 : index
    %get3A_92 = memref.load %arg1[%get3A_91] : memref<9xi32, #tpu.memory_space<smem>>
    %get3A_93 = arith.constant 8 : index
    %get3A_94 = memref.load %arg1[%get3A_93] : memref<9xi32, #tpu.memory_space<smem>>
    %gt3A_95 = arith.cmpi sgt, %get3A_94, %mul3A_0 : i32
    %add3A_96 = arith.constant 256 : i32
    %add3A_97 = arith.addi %mul3A_0, %add3A_96 : i32
    %lt3A_98 = arith.cmpi slt, %get3A_92, %add3A_97 : i32
    %and3A_99 = arith.andi %gt3A_95, %lt3A_98 : i1
    %convert_element_type3A_100 = arith.extui %and3A_99 : i1 to i32
    %cond3A_101 = arith.constant 0 : i32
    %cond3A_102 = arith.cmpi ne, %convert_element_type3A_100, %cond3A_101 : i32
    scf.if %cond3A_102 {
      %ge3A = vector.broadcast %get3A_92 : i32 to vector<256x1xi32>
      %ge3A_103 = arith.cmpi sge, %add3A_6, %ge3A : vector<256x1xi32>
      %lt3A_104 = vector.broadcast %get3A_94 : i32 to vector<256x1xi32>
      %lt3A_105 = arith.cmpi slt, %add3A_6, %lt3A_104 : vector<256x1xi32>
      %and3A_106 = arith.andi %ge3A_103, %lt3A_105 : vector<256x1xi1>
      %convert_element_type3A_107 = arith.extui %and3A_106 : vector<256x1xi1> to vector<256x1xi32>
      %convert_element_type3A_108 = arith.sitofp %convert_element_type3A_107 : vector<256x1xi32> to vector<256x1xf32>
      %get3A_109 = arith.constant 7168 : index
      %get3A_110 = arith.constant 0 : index
      %get3A_111 = vector.load %arg4[%get3A_109, %get3A_110] : memref<8192x256xf32, #tpu.memory_space<vmem>>, vector<1024x256xf32>
      %mul3A_112 = arith.constant 6.000000e-01 : f32
      %mul3A_113 = vector.broadcast %mul3A_112 : f32 to vector<1024x256xf32>
      %mul3A_114 = arith.mulf %mul3A_113, %get3A_111 : vector<1024x256xf32>
      %mul3A_115 = arith.constant 4.000000e-01 : f32
      %mul3A_116 = vector.broadcast %mul3A_115 : f32 to vector<1024x256xf32>
      %mul3A_117 = arith.mulf %mul3A_116, %get3A_5 : vector<1024x256xf32>
      %add3A_118 = arith.addf %mul3A_114, %mul3A_117 : vector<1024x256xf32>
      %get3A_119 = arith.constant 0 : index
      %get3A_120 = arith.constant 0 : index
      %get3A_121 = vector.load %arg6[%get3A_119, %get3A_120] : memref<256x256xf32, #tpu.memory_space<vmem>>, vector<256x256xf32>
      %mul3A_122 = vector.broadcast %convert_element_type3A_108 : vector<256x1xf32> to vector<256x1024xf32>
      %mul3A_123 = arith.mulf %get3A_2, %mul3A_122 : vector<256x1024xf32>
      %dot_general3A = arith.constant dense<0.000000e+00> : vector<256x256xf32>
      %dot_general3A_124 = tpu.matmul %mul3A_123, %add3A_118, %dot_general3A {dimension_numbers = #tpu.dot_dimension_numbers<[1], [0], [0], [1], [0, 0, 1, 1], [], []>, transpose_lhs_hint = false} : vector<256x1024xf32>, vector<1024x256xf32>, vector<256x256xf32> -> vector<256x256xf32>
      %mul3A_125 = arith.constant 2.000000e-01 : f32
      %mul3A_126 = vector.broadcast %mul3A_125 : f32 to vector<256x256xf32>
      %mul3A_127 = arith.mulf %mul3A_126, %dot_general3A_124 : vector<256x256xf32>
      %add3A_128 = arith.addf %get3A_121, %mul3A_127 : vector<256x256xf32>
      %swap3A_129 = arith.constant 0 : index
      %swap3A_130 = arith.constant 0 : index
      %swap3A_131 = vector.load %arg6[%swap3A_129, %swap3A_130] : memref<256x256xf32, #tpu.memory_space<vmem>>, vector<256x256xf32>
      tpu.vector_store %arg6[%swap3A_129, %swap3A_130], %add3A_128 {strides = array<i32>} : memref<256x256xf32, #tpu.memory_space<vmem>>, vector<256x256xf32>,
    } else {
    }
    return
  }
  func.func @transform_0(%arg0: i32, %arg1: memref<9xi32, #tpu.memory_space<smem>>) -> (i32, i32) {
    %c0_i32 = arith.constant 0 : i32
    %c0_i32_0 = arith.constant 0 : i32
    return %arg0, %c0_i32 : i32, i32
  }
  func.func @transform_1(%arg0: i32, %arg1: memref<9xi32, #tpu.memory_space<smem>>) -> (i32, i32) {
    %c0_i32 = arith.constant 0 : i32
    %c0_i32_0 = arith.constant 0 : i32
    return %arg0, %c0_i32 : i32, i32
  }
  func.func @transform_2(%arg0: i32, %arg1: memref<9xi32, #tpu.memory_space<smem>>) -> (i32, i32) {
    %c0_i32 = arith.constant 0 : i32
    %c0_i32_0 = arith.constant 0 : i32
    %c0_i32_1 = arith.constant 0 : i32
    return %c0_i32, %c0_i32_0 : i32, i32
  }
  func.func @transform_3(%arg0: i32, %arg1: memref<9xi32, #tpu.memory_space<smem>>) -> (i32, i32) {
    %c0_i32 = arith.constant 0 : i32
    %c0_i32_0 = arith.constant 0 : i32
    %c0_i32_1 = arith.constant 0 : i32
    return %c0_i32, %c0_i32_0 : i32, i32
  }
  func.func @transform_4(%arg0: i32, %arg1: memref<9xi32, #tpu.memory_space<smem>>) -> (i32, i32) {
    %c0_i32 = arith.constant 0 : i32
    %c0_i32_0 = arith.constant 0 : i32
    return %arg0, %c0_i32 : i32, i32
  }
}

</mosaic_0001>

<sc_bundles>
// kernel: kernel.6.cloned.1.call-start
scs
__scs_entry_jumppad:
0x0: {  	(pc) =	sbr.rel $0x88, $3  }
0x1: {  	(tag) =	ssettag $0x0;
	lr =	simm.s32 $0x1  }
0x2: {  	[smem:$0x3F91] =	sst lr;
	_ =	strace $0xD0000000  }
0x3: {  	_ = 	snop  }
0x4: {  	_ = 	snop  }
0x5: {  	_ = 	snop  }
0x6: {  	_ = 	snop  }
0x7: {  	_ = 	snop  }
__scs_overlays_trampoline_lowered:
0x8: {  	[smem:$0x3FA0] =	sst s0  }
0x9: {  	[smem:$0x3FA1] =	sst s1  }
0xa: {  	[smem:$0x3FA2] =	sst s2  }
0xb: {  	[smem:$0x3FA3] =	sst s3  }
0xc: {  	[smem:$0x3FA4] =	sst s4  }
0xd: {  	[smem:$0x3FA5] =	sst s5  }
0xe: {  	[smem:$0x3FA6] =	sst s6  }
0xf: {  	[smem:$0x3FA7] =	sst s7  }
0x10: {  	[smem:$0x3FA8] =	sst s8  }
0x11: {  	[smem:$0x3FA9] =	sst s9;
	s0 =	simm.s32 @!p0 $0x0  }
0x12: {  	s1 =	sld [smem:$0x3F8F];
	s0 =	simm.s32 @p0 $0x1  }
0x13: {  	[smem:$0x3FAA] =	sst s0;
	s0 =	simm.s32 @!p1 $0x0  }
0x14: {  	s2 =	sld [smem:$0x3F8E];
	s0 =	simm.s32 @p1 $0x1  }
0x15: {  	[smem:$0x3FAB] =	sst s0;
	s0 =	simm.s32 @!p2 $0x0  }
0x16: {  	s3 =	sld [smem:$0x3FDB];
	s0 =	simm.s32 @p2 $0x1  }
0x17: {  	s4 =	simm.s32 $0x1BF5;
	[smem:$0x3FAD] =	sst s0  }
0x18: {  	s0 =	sld [smem:$0x3F90];
	_ =	swait.ge [sflag:s4], $0x0  }
0x19: {  	s7 =	sld [smem:$0x3F91]  }
0x1a: {  	s8 =	sadd.s32 $0xFFFFE003, lr  }
0x1b: {  	s9 =	sadd.s32 $0xFFFFFEF7, lr;
	s5 =	simm.s32 $0xFFFFFFFF;
	p2 =	slt.u32 s8, $0xFFFFF086  }
0x1c: {  	p1 =	slt.u32 s9, $0xF7A;
	s5 =	simm.s32 @!p2 $0x0  }
0x1d: {  	s5 =	simm.s32 @p1 $0x1;
	p0 =	seq.s32 s7, s2  }
0x1e: {  	s7 =	smul.u32 @!p0 $0xF7A, s2;
	p2 =	seq.s32 @!p0 s5, $0x0  }
0x1f: {  	s9 =	smul.u32 $0xF7A, s1;
	s8 =	simm.s32 @!p0 $0x1BF5;
	p2 =	por !p2, p0  }
0x20: {  	[sflag:s8] =	ssyncset.s32 @!p0 $0xFFFFF086;
	s6 =	sadd.s32 @!p0 s3, s7;
	s7 =	simm.s32 @!p0 $0x108  }
0x21: {  	s3 =	sadd.s32 s3, s9;
	s6 =	sadd.s32 @!p0 $0x88, s6;
	s7 =	simm.s32 @p2 $0x1082  }
0x22: {  	[simem:s7], [sflag:s8] =	dma.local @!p0 [hbm:s6], $0xF7A  }
0x23: {  	s9 =	sor.u32 $0xD0000000, s2;
	s6 =	simm.s32 $0x108;
	_ =	swait.ge @!p0 [sflag:s8], $0x0  }
0x24: {  	s3 =	sadd.s32 $0x88, s3;
	s6 =	simm.s32 @!p1 $0x1082;
	[sflag:s4] =	ssyncset.s32 $0xFFFFF086  }
0x25: {  	[simem:s6], [sflag:s4] =	dma.local [hbm:s3], $0xF7A  }
0x26: {  	[smem:$0x3F91] =	sst s1;
	(tag) =	ssettag s2;
	_ =	strace s9  }
0x27: {  	s1 =	sld [smem:$0x3FA1]  }
0x28: {  	s2 =	sld [smem:$0x3FA2]  }
0x29: {  	s4 =	sld [smem:$0x3FA4]  }
0x2a: {  	p0 =	seq.s32 s5, $0x0;
	s5 =	sld [smem:$0x3FA5]  }
0x2b: {  	s6 =	sld [smem:$0x3FA6]  }
0x2c: {  	s7 =	sld [smem:$0x3FA7]  }
0x2d: {  	s3 =	simm.s32 $0x108;
	s8 =	sld [smem:$0x3FA8]  }
0x2e: {  	s3 =	simm.s32 @!p0 $0x1082;
	s9 =	sld [smem:$0x3FA9]  }
0x2f: {  	lr =	sadd.s32 s0, s3;
	s0 =	sld [smem:$0x3FA0]  }
0x30: {  	s3 =	sld [smem:$0x3FA3]  }
0x31: {  	[smem:$0x3FAC] =	sst s10  }
0x32: {  	s10 =	sld [smem:$0x3FAA];
	_ =	sdelay $0x3  }
0x33: {  	p0 =	seq.s32 s10, $0x1;
	s10 =	sld [smem:$0x3FAC];
	_ =	sdelay $0x3  }
0x34: {  	[smem:$0x3FAC] =	sst s10  }
0x35: {  	s10 =	sld [smem:$0x3FAB];
	_ =	sdelay $0x3  }
0x36: {  	p1 =	seq.s32 s10, $0x1;
	s10 =	sld [smem:$0x3FAC];
	_ =	sdelay $0x3  }
0x37: {  	[smem:$0x3FAC] =	sst s10  }
0x38: {  	s10 =	sld [smem:$0x3FAD]  }
0x39: {  	_ = 	snop;
	(pc) =	sbr.ind lr, $3  }
0x3a: {  	_ = 	snop  }
0x3b: {  	_ = 	snop  }
0x3c: {  	p2 =	seq.s32 s10, $0x1;
	s10 =	sld [smem:$0x3FAC]  }
0x3d: {  	_ =	shalt  }
0x3e: {  	_ =	shalt  }
0x3f: {  	_ =	shalt  }
0x40: {  	_ =	shalt  }
0x41: {  	_ =	shalt  }
0x42: {  	_ =	shalt  }
0x43: {  	_ =	shalt  }
0x44: {  	_ =	shalt  }
0x45: {  	_ =	shalt  }
0x46: {  	_ =	shalt  }
0x47: {  	_ =	shalt  }
0x48: {  	_ =	shalt  }
0x49: {  	_ =	shalt  }
0x4a: {  	_ =	shalt  }
0x4b: {  	_ =	shalt  }
0x4c: {  	_ =	shalt  }
0x4d: {  	_ =	shalt  }
0x4e: {  	_ =	shalt  }
0x4f: {  	_ =	shalt  }
0x50: {  	_ =	shalt  }
0x51: {  	_ =	shalt  }
0x52: {  	_ =	shalt  }
0x53: {  	_ =	shalt  }
0x54: {  	_ =	shalt  }
0x55: {  	_ =	shalt  }
0x56: {  	_ =	shalt  }
0x57: {  	_ =	shalt  }
0x58: {  	_ =	shalt  }
0x59: {  	_ =	shalt  }
0x5a: {  	_ =	shalt  }
0x5b: {  	_ =	shalt  }
0x5c: {  	_ =	shalt  }
0x5d: {  	_ =	shalt  }
0x5e: {  	_ =	shalt  }
0x5f: {  	_ =	shalt  }
0x60: {  	_ =	shalt  }
0x61: {  	_ =	shalt  }
0x62: {  	_ =	shalt  }
0x63: {  	_ =	shalt  }
0x64: {  	_ =	shalt  }
0x65: {  	_ =	shalt  }
0x66: {  	_ =	shalt  }
0x67: {  	_ =	shalt  }
0x68: {  	_ =	shalt  }
0x69: {  	_ =	shalt  }
0x6a: {  	_ =	shalt  }
0x6b: {  	_ =	shalt  }
0x6c: {  	_ =	shalt  }
0x6d: {  	_ =	shalt  }
0x6e: {  	_ =	shalt  }
0x6f: {  	_ =	shalt  }
0x70: {  	_ =	shalt  }
0x71: {  	_ =	shalt  }
0x72: {  	_ =	shalt  }
0x73: {  	_ =	shalt  }
0x74: {  	_ =	shalt  }
0x75: {  	_ =	shalt  }
0x76: {  	_ =	shalt  }
0x77: {  	_ =	shalt  }
0x78: {  	_ =	shalt  }
0x79: {  	_ =	shalt  }
0x7a: {  	_ =	shalt  }
0x7b: {  	_ =	shalt  }
0x7c: {  	_ =	shalt  }
0x7d: {  	_ =	shalt  }
0x7e: {  	_ =	shalt  }
0x7f: {  	_ =	shalt  }
0x80: {  	_ =	shalt  }
0x81: {  	_ =	shalt  }
0x82: {  	_ =	shalt  }
0x83: {  	_ =	shalt  }
0x84: {  	_ =	shalt  }
0x85: {  	_ =	shalt  }
0x86: {  	_ =	shalt  }
0x87: {  	_ =	shalt  }
.Lfunc_end0:
.L_simem_size_0:
called_computation.1_lowered:
.L_overlay_start_0:
0x88: {  	s2 =	sld [smem:$0x3FD9]  }
0x89: {  	s3 =	sld [smem:$0x3FFE];
	_ =	sdelay $0x1  }
0x8a: {  	s1 =	srdreg.scid  }
0x8b: {  	s0 =	sand.u32 $0x1, s1  }
0x8c: {  	s15 =	sshll.u32 s0, $0xA;
	s2 =	sadd.s32 s3, s2  }
0x8d: {  	s2 =	sadd.s32 s2, s15  }
0x8e: {  	[smem:$0x3FB8] =	sst s2  }
0x8f: {  	_ = 	snop  }
0x90: {  	s2 =	sld [smem:$0x3FD0];
	_ =	sdelay $0x2  }
0x91: {  	s4 =	simm.s32 $0xB;
	s16 =	simm.s32 $0x10  }
0x92: {  	[smem:s16], [sflag:s4] =	dma.local [hbm:s2], $0x1  }
0x93: {  	_ =	swait.eq [sflag:s4], $0x1  }
0x94: {  	[sflag:s4] =	ssyncset.done $0x0  }
0x95: {  	s17 =	sld [smem:$0x10];
	[sflag:s4] =	ssyncadd.s32 $0xFFFFFFFF  }
0x96: {  	s18 =	sld [smem:$0x11];
	(tm) =	ssettm $0x1  }
0x97: {  	s19 =	sld [smem:$0x3FFB];
	_ =	sdelay $0x3  }
0x98: {  	_ =	strace s19  }
0x99: {  	s2 =	sld [smem:$0x3FFC];
	_ =	sdelay $0x3  }
0x9a: {  	_ =	strace s2  }
0x9b: {  	s2 =	sld [smem:$0x3FFD];
	_ =	sdelay $0x3  }
0x9c: {  	_ =	strace s2  }
0x9d: {  	_ =	strace $0x8FFFFFFF  }
0x9e: {  	s20 =	sld [smem:$0x3FDB];
	_ =	sdelay $0x1  }
0x9f: {  	s5 =	simm.s32 $_scs_section_size  }
0xa0: {  	s6 =	simm.s32 $_size__tile_overlayer_lowered;
	s7 =	simm.s32 $_tile_overlayer_lowered  }
0xa1: {  	s8 =	simm.s32 $0x1BFF;
	s21 =	sshll.u32 s7, $0x1;
	s5 =	sadd.s32 s5, s20  }
0xa2: {  	s22 =	simm.s32 $0x0;
	s6 =	sshll.u32 s6, $0x1;
	s7 =	sadd.s32 s21, s5  }
0xa3: {  	[timem:s22], [sflag:s8] =	dma.local [hbm:s7], s6  }
0xa4: {  	_ =	swait.ge [sflag:s8], s6  }
0xa5: {  	s6 =	ssub.s32 $0x0, s6;
	[sflag:s8] =	ssyncset.done $0x0  }
0xa6: {  	[sflag:s8] =	ssyncadd.s32 s6;
	_ =	sdelay $0x1  }
0xa7: {  	s23 =	simm.s32 $0x1B8B  }
0xa8: {  	_ =	swait.ge [sflag:s23], $0x1  }
0xa9: {  	[sflag:s23] =	ssyncset.done $0x0  }
0xaa: {  	[sflag:s23] =	ssyncadd.s32 $0xFFFFFFFF  }
0xab: {  	s6 =	sld [smem:$0x0]  }
0xac: {  	s7 =	sand.u32 $0xFFFFFFFE, s1  }
0xad: {  	p0 =	sne.s32 s1, s7  }
0xae: {  	s7 =	sshll.u32 @p0 s7, $0xE  }
0xaf: {  	s7 =	sadd.s32 @p0 $0x11B8D, s7;
	s8 =	sshll.u32 @p0 s6, $0x11  }
0xb0: {  	s7 =	sor.u32 @p0 s8, s7  }
0xb1: {  	[sflag:s7] =	ssyncadd.remote.s32 @p0 $0x1;
	_ =	sdelay $0x1  }
0xb2: {  	s7 =	simm.s32 @p0 $0x1B8D  }
0xb3: {  	_ =	swait.eq @p0 [sflag:s7], $0x1  }
0xb4: {  	[sflag:s7] =	ssyncadd.s32 @p0 $0xFFFFFFFF  }
0xb5: {  	s8 =	sshll.u32 @!p0 s1, $0xE  }
0xb6: {  	s8 =	sor.u32 @!p0 $0x4000, s8;
	s7 =	simm.s32 @!p0 $0x1B8D  }
0xb7: {  	s6 =	sshll.u32 @!p0 s6, $0x11;
	s8 =	sadd.s32 @!p0 $0x11B8D, s8;
	_ =	swait.eq @!p0 [sflag:s7], $0x1  }
0xb8: {  	s6 =	sor.u32 @!p0 s6, s8;
	[sflag:s7] =	ssyncadd.s32 @!p0 $0xFFFFFFFF  }
0xb9: {  	s25 =	simm.s32 $0x1B8E;
	s24 =	sld [smem:$0x3FFE];
	[sflag:s6] =	ssyncadd.remote.s32 @!p0 $0x1  }
0xba: {  	s26 =	simm.s32 $execute0_lowered;
	[smem:$0x3FD2] =	sst s25  }
0xbb: {  	s7 =	sshll.u32 s26, $0x1;
	_ =	strace $0x80000049;
	[dreg:$0x1] =	wrdreg $0xFFFFFFFF  }
0xbc: {  	s28 =	simm.s32 $_size_execute0_lowered;
	s5 =	sadd.s32 s5, s7;
	[dreg:$0x0] =	wrdreg $0x0  }
0xbd: {  	s7 =	sshll.u32 s28, $0x1;
	[dreg:$0x2] =	wrdreg s5  }
0xbe: {  	[dreg:$0x3] =	wrdreg s7  }
0xbf: {  	[dreg:$0x4] =	wrdreg $0xC0  }
0xc0: {  	_ =	task [dreg:s22], $0x5FFFF  }
0xc1: {  	[dreg:$0x1] =	wrdreg $0xFFFFFFFF  }
0xc2: {  	[dreg:$0x0] =	wrdreg $0x60  }
0xc3: {  	[dreg:$0x2] =	wrdreg s18  }
0xc4: {  	[dreg:$0x3] =	wrdreg s17  }
0xc5: {  	[dreg:$0x4] =	wrdreg s24  }
0xc6: {  	[dreg:$0x5] =	wrdreg $0xA  }
0xc7: {  	_ =	task.clear_ibuf [dreg:s22], $0x6FFFF;
	_ =	strace $0x90000049  }
0xc8: {  	s29 =	simm.s32 $0xA;
	_ =	strace $0x8000004B  }
0xc9: {  	_ =	swait.ge [sflag:s29], $0x1  }
0xca: {  	[sflag:s29] =	ssyncadd.s32 $0xFFFFFFFF  }
0xcb: {  	_ =	strace $0x9000004B  }
0xcc: {  	_ =	sfence  }
0xcd: {  	s30 =	sld [smem:$0x0];
	_ =	sdelay $0x2  }
0xce: {  	s31 =	sshll.u32 s1, $0xD;
	s1 =	sshrl.u32 s1, $0x2  }
0xcf: {  	s4 =	sand.u32 $0x4000, s31;
	s1 =	sadd.s32 s1, s30  }
0xd0: {  	s0 =	sor.u32 s4, s0;
	s1 =	sshll.u32 s1, $0x11  }
0xd1: {  	s0 =	sor.u32 s1, s0  }
0xd2: {  	s0 =	sadd.s32 $0x8F2B, s0  }
0xd3: {  	[sflag:s0] =	ssyncadd.remote.s32 $0x1  }
0xd4: {  	_ =	sfence.sel $0xFFFF  }
0xd5: {  	[dreg:$0x0] =	wrdreg $0xFFFFFFFF;
	(pc) =	sbr.abs _section_cstart, $3  }
0xd6: {  	[dreg:$0x1] =	wrdreg $0xFFFFFFFF  }
0xd7: {  	_ =	task.clear_ibuf [dreg:s22], $0x2FFFF;
	_ =	strace $0x9FFFFFFF  }
0xd8: {  	(tm) =	ssettm $0x7FFFFFFF  }
0xd9: {  	_ =	shalt  }
tec
execute0_lowered:
.L_overlay_start_1:
0x0: {  	(tag) =	ssettag $0x1  }
0x1: {  	s1 =	rddreg [dreg:$0x0]  }
0x2: {  	s3 =	rddreg [dreg:$0x1]  }
0x3: {  	s5 =	rddreg [dreg:$0x2];
	s4 =	simm.s32 $0x0  }
0x4: {  	s9 =	simm.s32 $0x1080;
	[smem:$0x7FF] =	sst s4  }
0x5: {  	s10 =	simm.s32 $0x1880;
	_ =	strace $0x8000004A;
	[dreg:$0x8] =	wrdreg s9  }
0x6: {  	s11 =	simm.s32 $0x2080;
	[dreg:$0x9] =	wrdreg s10  }
0x7: {  	s12 =	simm.s32 $0x2880;
	[dreg:$0xa] =	wrdreg s11  }
0x8: {  	s13 =	simm.s32 $0x3080;
	[dreg:$0xb] =	wrdreg s12  }
0x9: {  	s14 =	simm.s32 $0x3880;
	[dreg:$0xc] =	wrdreg s13  }
0xa: {  	s15 =	simm.s32 $0x4080;
	[dreg:$0xd] =	wrdreg s14  }
0xb: {  	s2 =	srdreg.scid;
	s16 =	simm.s32 $0x4880;
	[dreg:$0xe] =	wrdreg s15  }
0xc: {  	s0 =	stileid.u32;
	s17 =	simm.s32 $0x5080;
	[dreg:$0xf] =	wrdreg s16  }
0xd: {  	s18 =	simm.s32 $0x5880;
	s19 =	simm.s32 $0x6080;
	[dreg:$0x10] =	wrdreg s17  }
0xe: {  	s20 =	simm.s32 $0x6880;
	s22 =	simm.s32 $0x7080;
	[dreg:$0x11] =	wrdreg s18  }
0xf: {  	s23 =	simm.s32 $0x7880;
	s24 =	simm.s32 $0x8080;
	[dreg:$0x12] =	wrdreg s19  }
0x10: {  	s25 =	simm.s32 $0x8880;
	s26 =	simm.s32 $0x9880;
	[dreg:$0x13] =	wrdreg s20  }
0x11: {  	s28 =	simm.s32 $0x11880;
	s29 =	simm.s32 $0x12080;
	[dreg:$0x14] =	wrdreg s22  }
0x12: {  	s30 =	simm.s32 $0x12880;
	s31 =	simm.s32 $0x13080;
	[dreg:$0x15] =	wrdreg s23  }
0x13: {  	s2 =	sand.u32 $0x1, s2;
	s6 =	sshll.u32 s0, $0x7;
	[dreg:$0x16] =	wrdreg s24  }
0x14: {  	s7 =	sshll.u32 s2, $0x6;
	s2 =	ssub.s32 $0x2, s2;
	[dreg:$0x17] =	wrdreg s25  }
0x15: {  	s9 =	simm.s32 $0x9080;
	s10 =	simm.s32 $0x80;
	[dreg:$0x19] =	wrdreg s26  }
0x16: {  	s12 =	simm.s32 $0xA880;
	s13 =	simm.s32 $0xB080;
	s14 =	simm.s32 $0xB880  }
0x17: {  	s15 =	simm.s32 $0xC080;
	s16 =	simm.s32 $0xC880;
	s17 =	simm.s32 $0xD080  }
0x18: {  	s18 =	simm.s32 $0xD880;
	s19 =	simm.s32 $0xE080;
	s20 =	simm.s32 $0xE880  }
0x19: {  	s22 =	simm.s32 $0xF880;
	s23 =	simm.s32 $0x1;
	s24 =	simm.s32 $0x10080  }
0x1a: {  	s25 =	simm.s32 $0x10880;
	s26 =	simm.s32 $0x11080;
	s6 =	sor.u32 s7, s6  }
0x1b: {  	s21 =	sshrl.u32 s2, $0x1;
	[dreg:$0x18] =	wrdreg s9;
	s7 =	sshrl.u32 s6, $0x3  }
0x1c: {  	s8 =	sshll.u32 s6, $0x7;
	s6 =	sshll.u32 s6, $0x5;
	s7 =	sadd.s32 s7, s5  }
0x1d: {  	s8 =	sadd.s32 s8, s5;
	s5 =	sadd.s32 s6, s5;
	s7 =	sadd.s32 $0x2800, s7  }
0x1e: {  	s9 =	simm.s32 $0x2;
	s5 =	sadd.s32 $0x42E00, s5;
	[dreg:$0x4] =	wrdreg s7  }
0x1f: {  	s2 =	ssub.s32 s2, s21;
	s7 =	sadd.s32 $0x2E00, s8;
	[dreg:$0x6] =	wrdreg s5  }
0x20: {  	v2 =	vlaneseq.u32;
	s21 =	simm.s32 $0xF080;
	s8 =	simm.s32 $0x880;
	[dreg:$0x5] =	wrdreg s7  }
0x21: {  	vm0 =	vmmov $0xffff;
	v1 =	vshrl.u32 v2, $0x3;
	s6 =	sadd.s32 $0x200, s1;
	s5 =	sadd.s32 $0x100, s1;
	[dreg:$0x7] =	wrdreg s8  }
0x22: {  	v0 =	vand.u32 $0x7, v2;
	v2 =	vor.u32 $0x8, v2;
	v1 =	vmul.u32 $0x8, v1;
	s7 =	sadd.s32 $0x300, s1;
	s8 =	smax.u32 s2, $0x1;
	s2 =	simm.s32 $0x13880  }
.LBB2_1:
0x23: {  	s0 =	rddreg [dreg:$0x4]  }
0x24: {  	[tilespmem:s4], [sflag:$0x2] =	stream.linear.gather [hbm4b:s0+s4], $0x40, $0x38;
	[tilespmem:$0x14080] =	vst v63  }
0x25: {  	_ =	swait.ge [sflag:s9], $0x40  }
0x26: {  	[sflag:s9] =	ssyncset.done $0x0  }
0x27: {  	[sflag:s9] =	ssyncadd.s32 $0xFFFFFFC0  }
0x28: {  	v3 =	vld [tilespmem:$0x0];
	_ =	sdelay $0x4  }
0x29: {  	v4 =	vshll.u32 v3, $0x3  }
0x2a: {  	v3 =	vand.u32 $0x7, v3;
	v4 =	vand.u32 $0xFFFFFFC0, v4  }
0x2b: {  	v3 =	vor.u32 v3, v4  }
0x2c: {  	v4 =	vperm.xlane v3, v0;
	_ =	sdelay $0x1  }
0x2d: {  	v4 =	vadd.s32 v1, v4;
	_ =	sdelay $0x4  }
0x2e: {  	[tilespmem:s10], [sflag:$0x1] =	stream.indirect_vreg.gather [hbm4b:s1+s4], $0x80, v4, vm0, $0xb8;
	[tilespmem:$0x14080] =	vst v63  }
0x2f: {  	s0 =	rddreg [dreg:$0x7];
	v3 =	vperm.xlane v3, v2  }
0x30: {  	[tilespmem:s0], [sflag:$0x1] =	stream.indirect_vreg.gather [hbm4b:s5+s4], $0x80, v4, vm0, $0xb8;
	[tilespmem:$0x14080] =	vst v63  }
0x31: {  	s11 =	rddreg [dreg:$0x8];
	v3 =	vadd.s32 v1, v3  }
0x32: {  	[tilespmem:s11], [sflag:$0x1] =	stream.indirect_vreg.gather [hbm4b:s6+s4], $0x80, v4, vm0, $0xb8;
	[tilespmem:$0x14080] =	vst v63  }
0x33: {  	s0 =	rddreg [dreg:$0x9]  }
0x34: {  	[tilespmem:s0], [sflag:$0x1] =	stream.indirect_vreg.gather [hbm4b:s7+s4], $0x80, v4, vm0, $0xb8;
	[tilespmem:$0x14080] =	vst v63  }
0x35: {  	s11 =	rddreg [dreg:$0xa]  }
0x36: {  	[tilespmem:s11], [sflag:$0x1] =	stream.indirect_vreg.gather [hbm4b:s1+s4], $0x80, v3, vm0, $0xb8;
	[tilespmem:$0x14080] =	vst v63  }
0x37: {  	s0 =	rddreg [dreg:$0xb]  }
0x38: {  	[tilespmem:s0], [sflag:$0x1] =	stream.indirect_vreg.gather [hbm4b:s5+s4], $0x80, v3, vm0, $0xb8;
	[tilespmem:$0x14080] =	vst v63  }
0x39: {  	s11 =	rddreg [dreg:$0xc]  }
0x3a: {  	[tilespmem:s11], [sflag:$0x1] =	stream.indirect_vreg.gather [hbm4b:s6+s4], $0x80, v3, vm0, $0xb8;
	[tilespmem:$0x14080] =	vst v63  }
0x3b: {  	s0 =	rddreg [dreg:$0xd]  }
0x3c: {  	[tilespmem:s0], [sflag:$0x1] =	stream.indirect_vreg.gather [hbm4b:s7+s4], $0x80, v3, vm0, $0xb8;
	[tilespmem:$0x14080] =	vst v63  }
0x3d: {  	v3 =	vld [tilespmem:$0x10];
	_ =	sdelay $0x4  }
0x3e: {  	v57 =	vshll.u32 v3, $0x3  }
0x3f: {  	v3 =	vand.u32 $0x7, v3;
	v4 =	vand.u32 $0xFFFFFFC0, v57  }
0x40: {  	v3 =	vor.u32 v3, v4  }
0x41: {  	v4 =	vperm.xlane v3, v0;
	_ =	sdelay $0x1  }
0x42: {  	v4 =	vadd.s32 v1, v4;
	_ =	sdelay $0x3  }
0x43: {  	s0 =	rddreg [dreg:$0xe]  }
0x44: {  	[tilespmem:s0], [sflag:$0x1] =	stream.indirect_vreg.gather [hbm4b:s1+s4], $0x80, v4, vm0, $0xb8;
	[tilespmem:$0x14080] =	vst v63  }
0x45: {  	s11 =	rddreg [dreg:$0xf];
	v3 =	vperm.xlane v3, v2  }
0x46: {  	[tilespmem:s11], [sflag:$0x1] =	stream.indirect_vreg.gather [hbm4b:s5+s4], $0x80, v4, vm0, $0xb8;
	[tilespmem:$0x14080] =	vst v63  }
0x47: {  	v3 =	vadd.s32 v1, v3;
	s0 =	rddreg [dreg:$0x10]  }
0x48: {  	[tilespmem:s0], [sflag:$0x1] =	stream.indirect_vreg.gather [hbm4b:s6+s4], $0x80, v4, vm0, $0xb8;
	[tilespmem:$0x14080] =	vst v63  }
0x49: {  	s11 =	rddreg [dreg:$0x11]  }
0x4a: {  	[tilespmem:s11], [sflag:$0x1] =	stream.indirect_vreg.gather [hbm4b:s7+s4], $0x80, v4, vm0, $0xb8;
	[tilespmem:$0x14080] =	vst v63  }
0x4b: {  	s0 =	rddreg [dreg:$0x12]  }
0x4c: {  	[tilespmem:s0], [sflag:$0x1] =	stream.indirect_vreg.gather [hbm4b:s1+s4], $0x80, v3, vm0, $0xb8;
	[tilespmem:$0x14080] =	vst v63  }
0x4d: {  	s11 =	rddreg [dreg:$0x13]  }
0x4e: {  	[tilespmem:s11], [sflag:$0x1] =	stream.indirect_vreg.gather [hbm4b:s5+s4], $0x80, v3, vm0, $0xb8;
	[tilespmem:$0x14080] =	vst v63  }
0x4f: {  	s0 =	rddreg [dreg:$0x14]  }
0x50: {  	[tilespmem:s0], [sflag:$0x1] =	stream.indirect_vreg.gather [hbm4b:s6+s4], $0x80, v3, vm0, $0xb8;
	[tilespmem:$0x14080] =	vst v63  }
0x51: {  	s11 =	rddreg [dreg:$0x15]  }
0x52: {  	[tilespmem:s11], [sflag:$0x1] =	stream.indirect_vreg.gather [hbm4b:s7+s4], $0x80, v3, vm0, $0xb8;
	[tilespmem:$0x14080] =	vst v63  }
0x53: {  	v3 =	vld [tilespmem:$0x20];
	_ =	sdelay $0x4  }
0x54: {  	v58 =	vshll.u32 v3, $0x3  }
0x55: {  	v3 =	vand.u32 $0x7, v3;
	v4 =	vand.u32 $0xFFFFFFC0, v58  }
0x56: {  	v3 =	vor.u32 v3, v4  }
0x57: {  	v4 =	vperm.xlane v3, v0;
	_ =	sdelay $0x1  }
0x58: {  	v4 =	vadd.s32 v1, v4;
	_ =	sdelay $0x3  }
0x59: {  	s0 =	rddreg [dreg:$0x16]  }
0x5a: {  	[tilespmem:s0], [sflag:$0x1] =	stream.indirect_vreg.gather [hbm4b:s1+s4], $0x80, v4, vm0, $0xb8;
	[tilespmem:$0x14080] =	vst v63  }
0x5b: {  	s11 =	rddreg [dreg:$0x17];
	v3 =	vperm.xlane v3, v2  }
0x5c: {  	[tilespmem:s11], [sflag:$0x1] =	stream.indirect_vreg.gather [hbm4b:s5+s4], $0x80, v4, vm0, $0xb8;
	[tilespmem:$0x14080] =	vst v63  }
0x5d: {  	v3 =	vadd.s32 v1, v3;
	s0 =	rddreg [dreg:$0x18]  }
0x5e: {  	[tilespmem:s0], [sflag:$0x1] =	stream.indirect_vreg.gather [hbm4b:s6+s4], $0x80, v4, vm0, $0xb8;
	[tilespmem:$0x14080] =	vst v63  }
0x5f: {  	s11 =	rddreg [dreg:$0x19]  }
0x60: {  	[tilespmem:s11], [sflag:$0x1] =	stream.indirect_vreg.gather [hbm4b:s7+s4], $0x80, v4, vm0, $0xb8;
	[tilespmem:$0x14080] =	vst v63  }
0x61: {  	s11 =	simm.s32 $0xA080  }
0x62: {  	[tilespmem:s11], [sflag:$0x1] =	stream.indirect_vreg.gather [hbm4b:s1+s4], $0x80, v3, vm0, $0xb8;
	[tilespmem:$0x14080] =	vst v63  }
0x63: {  	_ = 	snop  }
0x64: {  	[tilespmem:s12], [sflag:$0x1] =	stream.indirect_vreg.gather [hbm4b:s5+s4], $0x80, v3, vm0, $0xb8;
	[tilespmem:$0x14080] =	vst v63  }
0x65: {  	_ = 	snop  }
0x66: {  	[tilespmem:s13], [sflag:$0x1] =	stream.indirect_vreg.gather [hbm4b:s6+s4], $0x80, v3, vm0, $0xb8;
	[tilespmem:$0x14080] =	vst v63  }
0x67: {  	_ = 	snop  }
0x68: {  	[tilespmem:s14], [sflag:$0x1] =	stream.indirect_vreg.gather [hbm4b:s7+s4], $0x80, v3, vm0, $0xb8;
	[tilespmem:$0x14080] =	vst v63  }
0x69: {  	v3 =	vld [tilespmem:$0x30];
	_ =	sdelay $0x4  }
0x6a: {  	v59 =	vshll.u32 v3, $0x3  }
0x6b: {  	v3 =	vand.u32 $0x7, v3;
	v4 =	vand.u32 $0xFFFFFFC0, v59  }
0x6c: {  	v3 =	vor.u32 v3, v4  }
0x6d: {  	v4 =	vperm.xlane v3, v0;
	_ =	sdelay $0x1  }
0x6e: {  	v4 =	vadd.s32 v1, v4;
	_ =	sdelay $0x4  }
0x6f: {  	[tilespmem:s15], [sflag:$0x1] =	stream.indirect_vreg.gather [hbm4b:s1+s4], $0x80, v4, vm0, $0xb8;
	[tilespmem:$0x14080] =	vst v63  }
0x70: {  	v3 =	vperm.xlane v3, v2  }
0x71: {  	[tilespmem:s16], [sflag:$0x1] =	stream.indirect_vreg.gather [hbm4b:s5+s4], $0x80, v4, vm0, $0xb8;
	[tilespmem:$0x14080] =	vst v63  }
0x72: {  	v3 =	vadd.s32 v1, v3  }
0x73: {  	[tilespmem:s17], [sflag:$0x1] =	stream.indirect_vreg.gather [hbm4b:s6+s4], $0x80, v4, vm0, $0xb8;
	[tilespmem:$0x14080] =	vst v63  }
0x74: {  	_ = 	snop  }
0x75: {  	[tilespmem:s18], [sflag:$0x1] =	stream.indirect_vreg.gather [hbm4b:s7+s4], $0x80, v4, vm0, $0xb8;
	[tilespmem:$0x14080] =	vst v63  }
0x76: {  	_ = 	snop  }
0x77: {  	[tilespmem:s19], [sflag:$0x1] =	stream.indirect_vreg.gather [hbm4b:s1+s4], $0x80, v3, vm0, $0xb8;
	[tilespmem:$0x14080] =	vst v63  }
0x78: {  	_ = 	snop  }
0x79: {  	[tilespmem:s20], [sflag:$0x1] =	stream.indirect_vreg.gather [hbm4b:s5+s4], $0x80, v3, vm0, $0xb8;
	[tilespmem:$0x14080] =	vst v63  }
0x7a: {  	_ = 	snop  }
0x7b: {  	[tilespmem:s21], [sflag:$0x1] =	stream.indirect_vreg.gather [hbm4b:s6+s4], $0x80, v3, vm0, $0xb8;
	[tilespmem:$0x14080] =	vst v63  }
0x7c: {  	_ = 	snop  }
0x7d: {  	[tilespmem:s22], [sflag:$0x1] =	stream.indirect_vreg.gather [hbm4b:s7+s4], $0x80, v3, vm0, $0xb8;
	[tilespmem:$0x14080] =	vst v63  }
0x7e: {  	_ =	swait.ge [sflag:s23], $0x10000  }
0x7f: {  	[sflag:s23] =	ssyncset.done $0x0  }
0x80: {  	s11 =	rddreg [dreg:$0x5];
	[sflag:s23] =	ssyncadd.s32 $0xFFFF0000  }
0x81: {  	[hbm4b:s11+s4] =	stream.linear.scatter [tilespmem:s10], [sflag:$0x2], $0x10000, $0x38;
	[tilespmem:$0x14080] =	vst v63  }
0x82: {  	_ =	swait.ge [sflag:s9], $0x10000  }
0x83: {  	[sflag:s9] =	ssyncset.done $0x0  }
0x84: {  	[sflag:s9] =	ssyncadd.s32 $0xFFFF0000  }
0x85: {  	v3 =	vld [tilespmem:$0x0];
	_ =	sdelay $0x4  }
0x86: {  	v60 =	vshll.u32 v3, $0x1  }
0x87: {  	v3 =	vand.u32 $0x7, v3;
	v4 =	vand.u32 $0xFFFFFFF0, v60  }
0x88: {  	v3 =	vor.u32 v3, v4  }
0x89: {  	v4 =	vperm.xlane v3, v0;
	_ =	sdelay $0x1  }
0x8a: {  	v3 =	vperm.xlane v3, v2;
	v4 =	vadd.s32 v1, v4;
	_ =	sdelay $0x1  }
0x8b: {  	v3 =	vadd.s32 v1, v3;
	_ =	sdelay $0x2  }
0x8c: {  	[tilespmem:s24], [sflag:$0x1] =	stream.indirect_vreg.gather [hbm4b:s3+s4], $0x80, v4, vm0, $0xb8;
	[tilespmem:$0x14080] =	vst v63  }
0x8d: {  	_ = 	snop  }
0x8e: {  	[tilespmem:s25], [sflag:$0x1] =	stream.indirect_vreg.gather [hbm4b:s3+s4], $0x80, v3, vm0, $0xb8;
	[tilespmem:$0x14080] =	vst v63  }
0x8f: {  	v3 =	vld [tilespmem:$0x10];
	_ =	sdelay $0x4  }
0x90: {  	v61 =	vshll.u32 v3, $0x1  }
0x91: {  	v3 =	vand.u32 $0x7, v3;
	v4 =	vand.u32 $0xFFFFFFF0, v61  }
0x92: {  	v3 =	vor.u32 v3, v4  }
0x93: {  	v4 =	vperm.xlane v3, v0;
	_ =	sdelay $0x1  }
0x94: {  	v3 =	vperm.xlane v3, v2;
	v4 =	vadd.s32 v1, v4;
	_ =	sdelay $0x1  }
0x95: {  	v3 =	vadd.s32 v1, v3;
	_ =	sdelay $0x2  }
0x96: {  	[tilespmem:s26], [sflag:$0x1] =	stream.indirect_vreg.gather [hbm4b:s3+s4], $0x80, v4, vm0, $0xb8;
	[tilespmem:$0x14080] =	vst v63  }
0x97: {  	_ = 	snop  }
0x98: {  	[tilespmem:s28], [sflag:$0x1] =	stream.indirect_vreg.gather [hbm4b:s3+s4], $0x80, v3, vm0, $0xb8;
	[tilespmem:$0x14080] =	vst v63  }
0x99: {  	v3 =	vld [tilespmem:$0x20];
	_ =	sdelay $0x4  }
0x9a: {  	v62 =	vshll.u32 v3, $0x1  }
0x9b: {  	v3 =	vand.u32 $0x7, v3;
	v4 =	vand.u32 $0xFFFFFFF0, v62  }
0x9c: {  	v3 =	vor.u32 v3, v4  }
0x9d: {  	v4 =	vperm.xlane v3, v0;
	_ =	sdelay $0x1  }
0x9e: {  	v3 =	vperm.xlane v3, v2;
	v4 =	vadd.s32 v1, v4;
	_ =	sdelay $0x1  }
0x9f: {  	v3 =	vadd.s32 v1, v3;
	_ =	sdelay $0x2  }
0xa0: {  	[tilespmem:s29], [sflag:$0x1] =	stream.indirect_vreg.gather [hbm4b:s3+s4], $0x80, v4, vm0, $0xb8;
	[tilespmem:$0x14080] =	vst v63  }
0xa1: {  	_ = 	snop  }
0xa2: {  	[tilespmem:s30], [sflag:$0x1] =	stream.indirect_vreg.gather [hbm4b:s3+s4], $0x80, v3, vm0, $0xb8;
	[tilespmem:$0x14080] =	vst v63  }
0xa3: {  	v3 =	vld [tilespmem:$0x30];
	_ =	sdelay $0x4  }
0xa4: {  	v63 =	vshll.u32 v3, $0x1  }
0xa5: {  	v3 =	vand.u32 $0x7, v3;
	v4 =	vand.u32 $0xFFFFFFF0, v63  }
0xa6: {  	v3 =	vor.u32 v3, v4  }
0xa7: {  	v4 =	vperm.xlane v3, v0;
	_ =	sdelay $0x1  }
0xa8: {  	v3 =	vperm.xlane v3, v2;
	v4 =	vadd.s32 v1, v4;
	_ =	sdelay $0x1  }
0xa9: {  	v3 =	vadd.s32 v1, v3;
	_ =	sdelay $0x2  }
0xaa: {  	[tilespmem:s31], [sflag:$0x1] =	stream.indirect_vreg.gather [hbm4b:s3+s4], $0x80, v4, vm0, $0xb8;
	[tilespmem:$0x14080] =	vst v63  }
0xab: {  	_ = 	snop  }
0xac: {  	[tilespmem:s2], [sflag:$0x1] =	stream.indirect_vreg.gather [hbm4b:s3+s4], $0x80, v3, vm0, $0xb8;
	[tilespmem:$0x14080] =	vst v63  }
0xad: {  	_ =	swait.ge [sflag:s23], $0x4000  }
0xae: {  	p0 =	sne.s32 s8, $0x1;
	[sflag:s23] =	ssyncset.done $0x0  }
.Ltmp0:
0xaf: {  	s11 =	rddreg [dreg:$0x6];
	[sflag:s23] =	ssyncadd.s32 $0xFFFFC000;
	(pc) =	sbr.rel @p0 .LBB2_1-.Ltmp0, $4  }
0xb0: {  	[hbm4b:s11+s4] =	stream.linear.scatter [tilespmem:s24], [sflag:$0x2], $0x4000, $0x38;
	[tilespmem:$0x14080] =	vst v63  }
0xb1: {  	_ =	swait.ge [sflag:s9], $0x4000  }
0xb2: {  	[sflag:s9] =	ssyncset.done $0x0  }
0xb3: {  	s8 =	sadd.s32 $0xFFFFFFFF, s8;
	[sflag:s9] =	ssyncadd.s32 $0xFFFFC000  }
0xb4: {  	_ =	sfence.sel $0x180000  }
0xb5: {  	[bflag:$0x0] =	sbarrier.arrive $0xFFFF  }
0xb6: {  	_ =	strace $0x9000004A  }
0xb7: {  	s0 =	stileid.u32;
	[bflag:$0x2] =	sbarrier.arrive $0xFFFF  }
0xb8: {  	p0 =	sne.s32 s0, $0x0;
	s0 =	rddreg [dreg:$0x3]  }
0xb9: {  	s0 =	sadd.s32 @!p0 $0x100000, s0  }
0xba: {  	[sflag:s0] =	ssyncadd.tile.s32 @!p0 $0x1;
	_ =	shalt  }
.Lfunc_end2:
_tile_overlayer_lowered:
.L_overlay_start_2:
0xbb: {  	(tag) =	ssettag $0x2  }
0xbc: {  	s0 =	rddreg [dreg:$0x0];
	s2 =	stileid.u32  }
0xbd: {  	s1 =	rddreg [dreg:$0x1];
	p0 =	sne.s32 s2, $0x0  }
0xbe: {  	s3 =	rddreg [dreg:$0x2];
	[bflag:$0x3] =	sbarrier.arrive $0xFFFF;
	s2 =	simm.s32 @!p0 $0x1C02  }
0xbf: {  	[timem:s3], [sflag:s2] =	dma.local @!p0 [hbm:s0], s1  }
0xc0: {  	s0 =	simm.s32 @!p0 $0x2  }
0xc1: {  	_ =	swait.ge @!p0 [sflag:s0], s1  }
0xc2: {  	s1 =	ssub.s32 @!p0 $0x0, s1;
	[sflag:s0] =	ssyncset.done @!p0 $0x0  }
0xc3: {  	[sflag:s0] =	ssyncadd.s32 @!p0 s1  }
0xc4: {  	[bflag:$0x3] =	sbarrier.arrive $0xFFFF  }
0xc5: {  	_ =	shalt  }

// kernel: kernel.9.cloned.1.call-start
scs
__scs_entry_jumppad:
0x0: {  	(pc) =	sbr.rel $0x88, $3  }
0x1: {  	(tag) =	ssettag $0x0;
	lr =	simm.s32 $0x1  }
0x2: {  	[smem:$0x3F91] =	sst lr;
	_ =	strace $0xD0000000  }
0x3: {  	_ = 	snop  }
0x4: {  	_ = 	snop  }
0x5: {  	_ = 	snop  }
0x6: {  	_ = 	snop  }
0x7: {  	_ = 	snop  }
__scs_overlays_trampoline_lowered:
0x8: {  	[smem:$0x3FA0] =	sst s0  }
0x9: {  	[smem:$0x3FA1] =	sst s1  }
0xa: {  	[smem:$0x3FA2] =	sst s2  }
0xb: {  	[smem:$0x3FA3] =	sst s3  }
0xc: {  	[smem:$0x3FA4] =	sst s4  }
0xd: {  	[smem:$0x3FA5] =	sst s5  }
0xe: {  	[smem:$0x3FA6] =	sst s6  }
0xf: {  	[smem:$0x3FA7] =	sst s7  }
0x10: {  	[smem:$0x3FA8] =	sst s8  }
0x11: {  	[smem:$0x3FA9] =	sst s9;
	s0 =	simm.s32 @!p0 $0x0  }
0x12: {  	s1 =	sld [smem:$0x3F8F];
	s0 =	simm.s32 @p0 $0x1  }
0x13: {  	[smem:$0x3FAA] =	sst s0;
	s0 =	simm.s32 @!p1 $0x0  }
0x14: {  	s2 =	sld [smem:$0x3F8E];
	s0 =	simm.s32 @p1 $0x1  }
0x15: {  	[smem:$0x3FAB] =	sst s0;
	s0 =	simm.s32 @!p2 $0x0  }
0x16: {  	s3 =	sld [smem:$0x3FDB];
	s0 =	simm.s32 @p2 $0x1  }
0x17: {  	s4 =	simm.s32 $0x1BF5;
	[smem:$0x3FAD] =	sst s0  }
0x18: {  	s0 =	sld [smem:$0x3F90];
	_ =	swait.ge [sflag:s4], $0x0  }
0x19: {  	s7 =	sld [smem:$0x3F91]  }
0x1a: {  	s8 =	sadd.s32 $0xFFFFE003, lr  }
0x1b: {  	s9 =	sadd.s32 $0xFFFFFEF7, lr;
	s5 =	simm.s32 $0xFFFFFFFF;
	p2 =	slt.u32 s8, $0xFFFFF086  }
0x1c: {  	p1 =	slt.u32 s9, $0xF7A;
	s5 =	simm.s32 @!p2 $0x0  }
0x1d: {  	s5 =	simm.s32 @p1 $0x1;
	p0 =	seq.s32 s7, s2  }
0x1e: {  	s7 =	smul.u32 @!p0 $0xF7A, s2;
	p2 =	seq.s32 @!p0 s5, $0x0  }
0x1f: {  	s9 =	smul.u32 $0xF7A, s1;
	s8 =	simm.s32 @!p0 $0x1BF5;
	p2 =	por !p2, p0  }
0x20: {  	[sflag:s8] =	ssyncset.s32 @!p0 $0xFFFFF086;
	s6 =	sadd.s32 @!p0 s3, s7;
	s7 =	simm.s32 @!p0 $0x108  }
0x21: {  	s3 =	sadd.s32 s3, s9;
	s6 =	sadd.s32 @!p0 $0x88, s6;
	s7 =	simm.s32 @p2 $0x1082  }
0x22: {  	[simem:s7], [sflag:s8] =	dma.local @!p0 [hbm:s6], $0xF7A  }
0x23: {  	s9 =	sor.u32 $0xD0000000, s2;
	s6 =	simm.s32 $0x108;
	_ =	swait.ge @!p0 [sflag:s8], $0x0  }
0x24: {  	s3 =	sadd.s32 $0x88, s3;
	s6 =	simm.s32 @!p1 $0x1082;
	[sflag:s4] =	ssyncset.s32 $0xFFFFF086  }
0x25: {  	[simem:s6], [sflag:s4] =	dma.local [hbm:s3], $0xF7A  }
0x26: {  	[smem:$0x3F91] =	sst s1;
	(tag) =	ssettag s2;
	_ =	strace s9  }
0x27: {  	s1 =	sld [smem:$0x3FA1]  }
0x28: {  	s2 =	sld [smem:$0x3FA2]  }
0x29: {  	s4 =	sld [smem:$0x3FA4]  }
0x2a: {  	p0 =	seq.s32 s5, $0x0;
	s5 =	sld [smem:$0x3FA5]  }
0x2b: {  	s6 =	sld [smem:$0x3FA6]  }
0x2c: {  	s7 =	sld [smem:$0x3FA7]  }
0x2d: {  	s3 =	simm.s32 $0x108;
	s8 =	sld [smem:$0x3FA8]  }
0x2e: {  	s3 =	simm.s32 @!p0 $0x1082;
	s9 =	sld [smem:$0x3FA9]  }
0x2f: {  	lr =	sadd.s32 s0, s3;
	s0 =	sld [smem:$0x3FA0]  }
0x30: {  	s3 =	sld [smem:$0x3FA3]  }
0x31: {  	[smem:$0x3FAC] =	sst s10  }
0x32: {  	s10 =	sld [smem:$0x3FAA];
	_ =	sdelay $0x3  }
0x33: {  	p0 =	seq.s32 s10, $0x1;
	s10 =	sld [smem:$0x3FAC];
	_ =	sdelay $0x3  }
0x34: {  	[smem:$0x3FAC] =	sst s10  }
0x35: {  	s10 =	sld [smem:$0x3FAB];
	_ =	sdelay $0x3  }
0x36: {  	p1 =	seq.s32 s10, $0x1;
	s10 =	sld [smem:$0x3FAC];
	_ =	sdelay $0x3  }
0x37: {  	[smem:$0x3FAC] =	sst s10  }
0x38: {  	s10 =	sld [smem:$0x3FAD]  }
0x39: {  	_ = 	snop;
	(pc) =	sbr.ind lr, $3  }
0x3a: {  	_ = 	snop  }
0x3b: {  	_ = 	snop  }
0x3c: {  	p2 =	seq.s32 s10, $0x1;
	s10 =	sld [smem:$0x3FAC]  }
0x3d: {  	_ =	shalt  }
0x3e: {  	_ =	shalt  }
0x3f: {  	_ =	shalt  }
0x40: {  	_ =	shalt  }
0x41: {  	_ =	shalt  }
0x42: {  	_ =	shalt  }
0x43: {  	_ =	shalt  }
0x44: {  	_ =	shalt  }
0x45: {  	_ =	shalt  }
0x46: {  	_ =	shalt  }
0x47: {  	_ =	shalt  }
0x48: {  	_ =	shalt  }
0x49: {  	_ =	shalt  }
0x4a: {  	_ =	shalt  }
0x4b: {  	_ =	shalt  }
0x4c: {  	_ =	shalt  }
0x4d: {  	_ =	shalt  }
0x4e: {  	_ =	shalt  }
0x4f: {  	_ =	shalt  }
0x50: {  	_ =	shalt  }
0x51: {  	_ =	shalt  }
0x52: {  	_ =	shalt  }
0x53: {  	_ =	shalt  }
0x54: {  	_ =	shalt  }
0x55: {  	_ =	shalt  }
0x56: {  	_ =	shalt  }
0x57: {  	_ =	shalt  }
0x58: {  	_ =	shalt  }
0x59: {  	_ =	shalt  }
0x5a: {  	_ =	shalt  }
0x5b: {  	_ =	shalt  }
0x5c: {  	_ =	shalt  }
0x5d: {  	_ =	shalt  }
0x5e: {  	_ =	shalt  }
0x5f: {  	_ =	shalt  }
0x60: {  	_ =	shalt  }
0x61: {  	_ =	shalt  }
0x62: {  	_ =	shalt  }
0x63: {  	_ =	shalt  }
0x64: {  	_ =	shalt  }
0x65: {  	_ =	shalt  }
0x66: {  	_ =	shalt  }
0x67: {  	_ =	shalt  }
0x68: {  	_ =	shalt  }
0x69: {  	_ =	shalt  }
0x6a: {  	_ =	shalt  }
0x6b: {  	_ =	shalt  }
0x6c: {  	_ =	shalt  }
0x6d: {  	_ =	shalt  }
0x6e: {  	_ =	shalt  }
0x6f: {  	_ =	shalt  }
0x70: {  	_ =	shalt  }
0x71: {  	_ =	shalt  }
0x72: {  	_ =	shalt  }
0x73: {  	_ =	shalt  }
0x74: {  	_ =	shalt  }
0x75: {  	_ =	shalt  }
0x76: {  	_ =	shalt  }
0x77: {  	_ =	shalt  }
0x78: {  	_ =	shalt  }
0x79: {  	_ =	shalt  }
0x7a: {  	_ =	shalt  }
0x7b: {  	_ =	shalt  }
0x7c: {  	_ =	shalt  }
0x7d: {  	_ =	shalt  }
0x7e: {  	_ =	shalt  }
0x7f: {  	_ =	shalt  }
0x80: {  	_ =	shalt  }
0x81: {  	_ =	shalt  }
0x82: {  	_ =	shalt  }
0x83: {  	_ =	shalt  }
0x84: {  	_ =	shalt  }
0x85: {  	_ =	shalt  }
0x86: {  	_ =	shalt  }
0x87: {  	_ =	shalt  }
.Lfunc_end0:
.L_simem_size_0:
called_computation.2_lowered:
.L_overlay_start_0:
0x88: {  	s2 =	sld [smem:$0x3FD9]  }
0x89: {  	s3 =	sld [smem:$0x3FFE];
	_ =	sdelay $0x1  }
0x8a: {  	s1 =	srdreg.scid  }
0x8b: {  	s0 =	sand.u32 $0x1, s1  }
0x8c: {  	s14 =	sshll.u32 s0, $0xA;
	s2 =	sadd.s32 s3, s2  }
0x8d: {  	s2 =	sadd.s32 s2, s14  }
0x8e: {  	[smem:$0x3FB8] =	sst s2  }
0x8f: {  	_ = 	snop  }
0x90: {  	s2 =	sld [smem:$0x3FD0];
	_ =	sdelay $0x2  }
0x91: {  	s15 =	simm.s32 $0xB;
	s4 =	simm.s32 $0x10  }
0x92: {  	[smem:s4], [sflag:s15] =	dma.local [hbm:s2], $0x1  }
0x93: {  	_ =	swait.eq [sflag:s15], $0x1  }
0x94: {  	[sflag:s15] =	ssyncset.done $0x0  }
0x95: {  	[sflag:s15] =	ssyncadd.s32 $0xFFFFFFFF  }
0x96: {  	s16 =	sld [smem:$0x10];
	(tm) =	ssettm $0x1  }
0x97: {  	s17 =	sld [smem:$0x3FFB];
	_ =	sdelay $0x3  }
0x98: {  	_ =	strace s17  }
0x99: {  	s3 =	sld [smem:$0x3FFC];
	_ =	sdelay $0x3  }
0x9a: {  	_ =	strace s3  }
0x9b: {  	s3 =	sld [smem:$0x3FFD];
	_ =	sdelay $0x3  }
0x9c: {  	_ =	strace s3  }
0x9d: {  	_ =	strace $0x8FFFFFFF  }
0x9e: {  	s18 =	sld [smem:$0x3FDB];
	_ =	sdelay $0x1  }
0x9f: {  	s19 =	simm.s32 $_scs_section_size  }
0xa0: {  	s5 =	simm.s32 $_size__tile_overlayer_lowered;
	s6 =	simm.s32 $_tile_overlayer_lowered  }
0xa1: {  	s22 =	simm.s32 $0x1BFF;
	s21 =	sshll.u32 s6, $0x1;
	s3 =	sadd.s32 s19, s18  }
0xa2: {  	s7 =	simm.s32 $0x0;
	s20 =	sshll.u32 s5, $0x1;
	s5 =	sadd.s32 s21, s3  }
0xa3: {  	[timem:s7], [sflag:s22] =	dma.local [hbm:s5], s20  }
0xa4: {  	_ =	swait.ge [sflag:s22], s20  }
0xa5: {  	s4 =	ssub.s32 $0x0, s20;
	[sflag:s22] =	ssyncset.done $0x0  }
0xa6: {  	[sflag:s22] =	ssyncadd.s32 s4;
	_ =	sdelay $0x1  }
0xa7: {  	s23 =	simm.s32 $0x1B8B  }
0xa8: {  	_ =	swait.ge [sflag:s23], $0x1  }
0xa9: {  	[sflag:s23] =	ssyncset.done $0x0  }
0xaa: {  	s25 =	simm.s32 $0x1B8E;
	s24 =	sld [smem:$0x3FFE];
	[sflag:s23] =	ssyncadd.s32 $0xFFFFFFFF  }
0xab: {  	s26 =	simm.s32 $execute0_lowered;
	[smem:$0x3FD2] =	sst s25  }
0xac: {  	s5 =	sshll.u32 s26, $0x1;
	_ =	strace $0x8000004C;
	[dreg:$0x1] =	wrdreg $0xFFFFFFFF  }
0xad: {  	s28 =	simm.s32 $_size_execute0_lowered;
	s3 =	sadd.s32 s3, s5;
	[dreg:$0x0] =	wrdreg $0x0  }
0xae: {  	s5 =	sshll.u32 s28, $0x1;
	[dreg:$0x2] =	wrdreg s3  }
0xaf: {  	[dreg:$0x3] =	wrdreg s5  }
0xb0: {  	[dreg:$0x4] =	wrdreg $0xC0  }
0xb1: {  	_ =	task [dreg:s7], $0x5FFFF  }
0xb2: {  	[dreg:$0x1] =	wrdreg $0xFFFFFFFF  }
0xb3: {  	[dreg:$0x0] =	wrdreg $0x60  }
0xb4: {  	[dreg:$0x2] =	wrdreg s24  }
0xb5: {  	[dreg:$0x3] =	wrdreg s16  }
0xb6: {  	[dreg:$0x4] =	wrdreg $0x9  }
0xb7: {  	_ =	task.clear_ibuf [dreg:s7], $0x5FFFF;
	_ =	strace $0x9000004C  }
0xb8: {  	s29 =	simm.s32 $0x9;
	_ =	strace $0x8000004E  }
0xb9: {  	_ =	swait.ge [sflag:s29], $0x1  }
0xba: {  	[sflag:s29] =	ssyncadd.s32 $0xFFFFFFFF  }
0xbb: {  	_ =	strace $0x9000004E  }
0xbc: {  	_ =	sfence  }
0xbd: {  	s30 =	sld [smem:$0x0];
	_ =	sdelay $0x2  }
0xbe: {  	s31 =	sshll.u32 s1, $0xD;
	s1 =	sshrl.u32 s1, $0x2  }
0xbf: {  	s3 =	sand.u32 $0x4000, s31;
	s1 =	sadd.s32 s1, s30  }
0xc0: {  	s0 =	sor.u32 s3, s0;
	s1 =	sshll.u32 s1, $0x11  }
0xc1: {  	s0 =	sor.u32 s1, s0  }
0xc2: {  	s0 =	sadd.s32 $0x8F2B, s0  }
0xc3: {  	[sflag:s0] =	ssyncadd.remote.s32 $0x1  }
0xc4: {  	_ =	sfence.sel $0xFFFF  }
0xc5: {  	[dreg:$0x0] =	wrdreg $0xFFFFFFFF;
	(pc) =	sbr.abs _section_cstart, $3  }
0xc6: {  	[dreg:$0x1] =	wrdreg $0xFFFFFFFF  }
0xc7: {  	_ =	task.clear_ibuf [dreg:s7], $0x2FFFF;
	_ =	strace $0x9FFFFFFF  }
0xc8: {  	(tm) =	ssettm $0x7FFFFFFF  }
0xc9: {  	_ =	shalt  }
tec
execute0_lowered:
.L_overlay_start_1:
0x0: {  	(tag) =	ssettag $0x1  }
0x1: {  	s4 =	rddreg [dreg:$0x0]  }
0x2: {  	s2 =	rddreg [dreg:$0x1];
	s3 =	srdreg.scid  }
0x3: {  	s0 =	rddreg [dreg:$0x2];
	s1 =	stileid.u32  }
0x4: {  	s9 =	simm.s32 $0x880;
	s10 =	simm.s32 $0x1080;
	s11 =	simm.s32 $0x1880  }
0x5: {  	s12 =	simm.s32 $0x2080;
	s13 =	simm.s32 $0x2880;
	s14 =	simm.s32 $0x3080  }
0x6: {  	s15 =	simm.s32 $0x3880;
	s16 =	simm.s32 $0x1;
	s5 =	sand.u32 $0x1, s3  }
0x7: {  	s3 =	simm.s32 $0x0;
	s6 =	sshll.u32 s1, $0x7;
	s7 =	sshll.u32 s5, $0x6  }
0x8: {  	[smem:$0x7FF] =	sst s3;
	s5 =	ssub.s32 $0x2, s5;
	s6 =	sor.u32 s7, s6  }
0x9: {  	_ =	strace $0x8000004D;
	s7 =	sshrl.u32 s6, $0x3;
	s6 =	sshll.u32 s6, $0x5  }
0xa: {  	v2 =	vlaneseq.u32;
	s8 =	sshrl.u32 s5, $0x1;
	s7 =	sadd.s32 s7, s4;
	s6 =	sadd.s32 s6, s4  }
0xb: {  	vm0 =	vmmov $0xffff;
	v1 =	vshrl.u32 v2, $0x3;
	s8 =	ssub.s32 s5, s8;
	s4 =	sadd.s32 $0x2800, s7;
	s5 =	sadd.s32 $0x2A00, s6  }
0xc: {  	v0 =	vand.u32 $0x7, v2;
	v2 =	vor.u32 $0x8, v2;
	v1 =	vmul.u32 $0x8, v1;
	s6 =	smax.u32 s8, $0x1;
	s7 =	simm.s32 $0x2;
	s8 =	simm.s32 $0x80  }
.LBB2_1:
0xd: {  	[tilespmem:s3], [sflag:$0x2] =	stream.linear.gather [hbm4b:s4+s3], $0x40, $0x38;
	[tilespmem:$0x4080] =	vst v63  }
0xe: {  	_ =	swait.ge [sflag:s7], $0x40  }
0xf: {  	[sflag:s7] =	ssyncset.done $0x0  }
0x10: {  	[sflag:s7] =	ssyncadd.s32 $0xFFFFFFC0  }
0x11: {  	[tilespmem:s8], [sflag:$0x2] =	stream.linear.gather [hbm4b:s5+s3], $0x4000, $0x38;
	[tilespmem:$0x4080] =	vst v63  }
0x12: {  	_ =	swait.ge [sflag:s7], $0x4000  }
0x13: {  	[sflag:s7] =	ssyncset.done $0x0  }
0x14: {  	[sflag:s7] =	ssyncadd.s32 $0xFFFFC000  }
0x15: {  	v3 =	vld [tilespmem:$0x0];
	_ =	sdelay $0x4  }
0x16: {  	v4 =	vshll.u32 v3, $0x1  }
0x17: {  	v3 =	vand.u32 $0x7, v3;
	v4 =	vand.u32 $0xFFFFFFF0, v4  }
0x18: {  	v3 =	vor.u32 v3, v4  }
0x19: {  	v4 =	vperm.xlane v3, v0;
	_ =	sdelay $0x1  }
0x1a: {  	v3 =	vperm.xlane v3, v2;
	v4 =	vadd.s32 v1, v4;
	_ =	sdelay $0x1  }
0x1b: {  	v3 =	vadd.s32 v1, v3;
	_ =	sdelay $0x2  }
0x1c: {  	[hbm4b:s2+s3] =	stream.indirect_vreg.scatter [tilespmem:s8], [sflag:$0x1], $0x80, v4, vm0, $0xb8;
	[tilespmem:$0x4080] =	vst v63  }
0x1d: {  	_ = 	snop  }
0x1e: {  	[hbm4b:s2+s3] =	stream.indirect_vreg.scatter [tilespmem:s9], [sflag:$0x1], $0x80, v3, vm0, $0xb8;
	[tilespmem:$0x4080] =	vst v63  }
0x1f: {  	v3 =	vld [tilespmem:$0x10];
	_ =	sdelay $0x4  }
0x20: {  	v61 =	vshll.u32 v3, $0x1  }
0x21: {  	v3 =	vand.u32 $0x7, v3;
	v4 =	vand.u32 $0xFFFFFFF0, v61  }
0x22: {  	v3 =	vor.u32 v3, v4  }
0x23: {  	v4 =	vperm.xlane v3, v0;
	_ =	sdelay $0x1  }
0x24: {  	v3 =	vperm.xlane v3, v2;
	v4 =	vadd.s32 v1, v4;
	_ =	sdelay $0x1  }
0x25: {  	v3 =	vadd.s32 v1, v3;
	_ =	sdelay $0x2  }
0x26: {  	[hbm4b:s2+s3] =	stream.indirect_vreg.scatter [tilespmem:s10], [sflag:$0x1], $0x80, v4, vm0, $0xb8;
	[tilespmem:$0x4080] =	vst v63  }
0x27: {  	_ = 	snop  }
0x28: {  	[hbm4b:s2+s3] =	stream.indirect_vreg.scatter [tilespmem:s11], [sflag:$0x1], $0x80, v3, vm0, $0xb8;
	[tilespmem:$0x4080] =	vst v63  }
0x29: {  	v3 =	vld [tilespmem:$0x20];
	_ =	sdelay $0x4  }
0x2a: {  	v62 =	vshll.u32 v3, $0x1  }
0x2b: {  	v3 =	vand.u32 $0x7, v3;
	v4 =	vand.u32 $0xFFFFFFF0, v62  }
0x2c: {  	v3 =	vor.u32 v3, v4  }
0x2d: {  	v4 =	vperm.xlane v3, v0;
	_ =	sdelay $0x1  }
0x2e: {  	v3 =	vperm.xlane v3, v2;
	v4 =	vadd.s32 v1, v4;
	_ =	sdelay $0x1  }
0x2f: {  	v3 =	vadd.s32 v1, v3;
	_ =	sdelay $0x2  }
0x30: {  	[hbm4b:s2+s3] =	stream.indirect_vreg.scatter [tilespmem:s12], [sflag:$0x1], $0x80, v4, vm0, $0xb8;
	[tilespmem:$0x4080] =	vst v63  }
0x31: {  	_ = 	snop  }
0x32: {  	[hbm4b:s2+s3] =	stream.indirect_vreg.scatter [tilespmem:s13], [sflag:$0x1], $0x80, v3, vm0, $0xb8;
	[tilespmem:$0x4080] =	vst v63  }
0x33: {  	v3 =	vld [tilespmem:$0x30];
	_ =	sdelay $0x4  }
0x34: {  	v63 =	vshll.u32 v3, $0x1  }
0x35: {  	v3 =	vand.u32 $0x7, v3;
	v4 =	vand.u32 $0xFFFFFFF0, v63  }
0x36: {  	v3 =	vor.u32 v3, v4  }
0x37: {  	v4 =	vperm.xlane v3, v0;
	_ =	sdelay $0x1  }
0x38: {  	v3 =	vperm.xlane v3, v2;
	v4 =	vadd.s32 v1, v4;
	_ =	sdelay $0x1  }
0x39: {  	v3 =	vadd.s32 v1, v3;
	_ =	sdelay $0x1  }
0x3a: {  	p0 =	sne.s32 s6, $0x1  }
0x3b: {  	[hbm4b:s2+s3] =	stream.indirect_vreg.scatter [tilespmem:s14], [sflag:$0x1], $0x80, v4, vm0, $0xb8;
	[tilespmem:$0x4080] =	vst v63  }
.Ltmp0:
0x3c: {  	_ = 	snop;
	(pc) =	sbr.rel @p0 .LBB2_1-.Ltmp0, $4  }
0x3d: {  	[hbm4b:s2+s3] =	stream.indirect_vreg.scatter [tilespmem:s15], [sflag:$0x1], $0x80, v3, vm0, $0xb8;
	[tilespmem:$0x4080] =	vst v63  }
0x3e: {  	_ =	swait.ge [sflag:s16], $0x4000  }
0x3f: {  	[sflag:s16] =	ssyncset.done $0x0  }
0x40: {  	s6 =	sadd.s32 $0xFFFFFFFF, s6;
	[sflag:s16] =	ssyncadd.s32 $0xFFFFC000  }
0x41: {  	_ =	sfence.sel $0x180000  }
0x42: {  	[bflag:$0x0] =	sbarrier.arrive $0xFFFF  }
0x43: {  	p0 =	sne.s32 s1, $0x0;
	_ =	strace $0x9000004D  }
0x44: {  	s0 =	sadd.s32 @!p0 $0x100000, s0;
	[bflag:$0x2] =	sbarrier.arrive $0xFFFF  }
0x45: {  	[sflag:s0] =	ssyncadd.tile.s32 @!p0 $0x1;
	_ =	shalt  }
.Lfunc_end2:
_tile_overlayer_lowered:
.L_overlay_start_2:
0x46: {  	(tag) =	ssettag $0x2  }
0x47: {  	s0 =	rddreg [dreg:$0x0];
	s2 =	stileid.u32  }
0x48: {  	s1 =	rddreg [dreg:$0x1];
	p0 =	sne.s32 s2, $0x0  }
0x49: {  	s3 =	rddreg [dreg:$0x2];
	[bflag:$0x3] =	sbarrier.arrive $0xFFFF;
	s2 =	simm.s32 @!p0 $0x1C02  }
0x4a: {  	[timem:s3], [sflag:s2] =	dma.local @!p0 [hbm:s0], s1  }
0x4b: {  	s0 =	simm.s32 @!p0 $0x2  }
0x4c: {  	_ =	swait.ge @!p0 [sflag:s0], s1  }
0x4d: {  	s1 =	ssub.s32 @!p0 $0x0, s1;
	[sflag:s0] =	ssyncset.done @!p0 $0x0  }
0x4e: {  	[sflag:s0] =	ssyncadd.s32 @!p0 s1  }
0x4f: {  	[bflag:$0x3] =	sbarrier.arrive $0xFFFF  }
0x50: {  	_ =	shalt  }

// kernel: scatter_offload_async_start
scs
__scs_entry_jumppad:
0x0: {  	(pc) =	sbr.rel $0x88, $3  }
0x1: {  	(tag) =	ssettag $0x0;
	lr =	simm.s32 $0x1  }
0x2: {  	[smem:$0x3F91] =	sst lr;
	_ =	strace $0xD0000000  }
0x3: {  	_ = 	snop  }
0x4: {  	_ = 	snop  }
0x5: {  	_ = 	snop  }
0x6: {  	_ = 	snop  }
0x7: {  	_ = 	snop  }
__scs_overlays_trampoline_lowered:
0x8: {  	[smem:$0x3FA0] =	sst s0  }
0x9: {  	[smem:$0x3FA1] =	sst s1  }
0xa: {  	[smem:$0x3FA2] =	sst s2  }
0xb: {  	[smem:$0x3FA3] =	sst s3  }
0xc: {  	[smem:$0x3FA4] =	sst s4  }
0xd: {  	[smem:$0x3FA5] =	sst s5  }
0xe: {  	[smem:$0x3FA6] =	sst s6  }
0xf: {  	[smem:$0x3FA7] =	sst s7  }
0x10: {  	[smem:$0x3FA8] =	sst s8  }
0x11: {  	[smem:$0x3FA9] =	sst s9;
	s0 =	simm.s32 @!p0 $0x0  }
0x12: {  	s1 =	sld [smem:$0x3F8F];
	s0 =	simm.s32 @p0 $0x1  }
0x13: {  	[smem:$0x3FAA] =	sst s0;
	s0 =	simm.s32 @!p1 $0x0  }
0x14: {  	s2 =	sld [smem:$0x3F8E];
	s0 =	simm.s32 @p1 $0x1  }
0x15: {  	[smem:$0x3FAB] =	sst s0;
	s0 =	simm.s32 @!p2 $0x0  }
0x16: {  	s3 =	sld [smem:$0x3FDB];
	s0 =	simm.s32 @p2 $0x1  }
0x17: {  	s4 =	simm.s32 $0x1BF5;
	[smem:$0x3FAD] =	sst s0  }
0x18: {  	s0 =	sld [smem:$0x3F90];
	_ =	swait.ge [sflag:s4], $0x0  }
0x19: {  	s7 =	sld [smem:$0x3F91]  }
0x1a: {  	s8 =	sadd.s32 $0xFFFFE003, lr  }
0x1b: {  	s9 =	sadd.s32 $0xFFFFFEF7, lr;
	s5 =	simm.s32 $0xFFFFFFFF;
	p2 =	slt.u32 s8, $0xFFFFF086  }
0x1c: {  	p1 =	slt.u32 s9, $0xF7A;
	s5 =	simm.s32 @!p2 $0x0  }
0x1d: {  	s5 =	simm.s32 @p1 $0x1;
	p0 =	seq.s32 s7, s2  }
0x1e: {  	s7 =	smul.u32 @!p0 $0xF7A, s2;
	p2 =	seq.s32 @!p0 s5, $0x0  }
0x1f: {  	s9 =	smul.u32 $0xF7A, s1;
	s8 =	simm.s32 @!p0 $0x1BF5;
	p2 =	por !p2, p0  }
0x20: {  	[sflag:s8] =	ssyncset.s32 @!p0 $0xFFFFF086;
	s6 =	sadd.s32 @!p0 s3, s7;
	s7 =	simm.s32 @!p0 $0x108  }
0x21: {  	s3 =	sadd.s32 s3, s9;
	s6 =	sadd.s32 @!p0 $0x88, s6;
	s7 =	simm.s32 @p2 $0x1082  }
0x22: {  	[simem:s7], [sflag:s8] =	dma.local @!p0 [hbm:s6], $0xF7A  }
0x23: {  	s9 =	sor.u32 $0xD0000000, s2;
	s6 =	simm.s32 $0x108;
	_ =	swait.ge @!p0 [sflag:s8], $0x0  }
0x24: {  	s3 =	sadd.s32 $0x88, s3;
	s6 =	simm.s32 @!p1 $0x1082;
	[sflag:s4] =	ssyncset.s32 $0xFFFFF086  }
0x25: {  	[simem:s6], [sflag:s4] =	dma.local [hbm:s3], $0xF7A  }
0x26: {  	[smem:$0x3F91] =	sst s1;
	(tag) =	ssettag s2;
	_ =	strace s9  }
0x27: {  	s1 =	sld [smem:$0x3FA1]  }
0x28: {  	s2 =	sld [smem:$0x3FA2]  }
0x29: {  	s4 =	sld [smem:$0x3FA4]  }
0x2a: {  	p0 =	seq.s32 s5, $0x0;
	s5 =	sld [smem:$0x3FA5]  }
0x2b: {  	s6 =	sld [smem:$0x3FA6]  }
0x2c: {  	s7 =	sld [smem:$0x3FA7]  }
0x2d: {  	s3 =	simm.s32 $0x108;
	s8 =	sld [smem:$0x3FA8]  }
0x2e: {  	s3 =	simm.s32 @!p0 $0x1082;
	s9 =	sld [smem:$0x3FA9]  }
0x2f: {  	lr =	sadd.s32 s0, s3;
	s0 =	sld [smem:$0x3FA0]  }
0x30: {  	s3 =	sld [smem:$0x3FA3]  }
0x31: {  	[smem:$0x3FAC] =	sst s10  }
0x32: {  	s10 =	sld [smem:$0x3FAA];
	_ =	sdelay $0x3  }
0x33: {  	p0 =	seq.s32 s10, $0x1;
	s10 =	sld [smem:$0x3FAC];
	_ =	sdelay $0x3  }
0x34: {  	[smem:$0x3FAC] =	sst s10  }
0x35: {  	s10 =	sld [smem:$0x3FAB];
	_ =	sdelay $0x3  }
0x36: {  	p1 =	seq.s32 s10, $0x1;
	s10 =	sld [smem:$0x3FAC];
	_ =	sdelay $0x3  }
0x37: {  	[smem:$0x3FAC] =	sst s10  }
0x38: {  	s10 =	sld [smem:$0x3FAD]  }
0x39: {  	_ = 	snop;
	(pc) =	sbr.ind lr, $3  }
0x3a: {  	_ = 	snop  }
0x3b: {  	_ = 	snop  }
0x3c: {  	p2 =	seq.s32 s10, $0x1;
	s10 =	sld [smem:$0x3FAC]  }
0x3d: {  	_ =	shalt  }
0x3e: {  	_ =	shalt  }
0x3f: {  	_ =	shalt  }
0x40: {  	_ =	shalt  }
0x41: {  	_ =	shalt  }
0x42: {  	_ =	shalt  }
0x43: {  	_ =	shalt  }
0x44: {  	_ =	shalt  }
0x45: {  	_ =	shalt  }
0x46: {  	_ =	shalt  }
0x47: {  	_ =	shalt  }
0x48: {  	_ =	shalt  }
0x49: {  	_ =	shalt  }
0x4a: {  	_ =	shalt  }
0x4b: {  	_ =	shalt  }
0x4c: {  	_ =	shalt  }
0x4d: {  	_ =	shalt  }
0x4e: {  	_ =	shalt  }
0x4f: {  	_ =	shalt  }
0x50: {  	_ =	shalt  }
0x51: {  	_ =	shalt  }
0x52: {  	_ =	shalt  }
0x53: {  	_ =	shalt  }
0x54: {  	_ =	shalt  }
0x55: {  	_ =	shalt  }
0x56: {  	_ =	shalt  }
0x57: {  	_ =	shalt  }
0x58: {  	_ =	shalt  }
0x59: {  	_ =	shalt  }
0x5a: {  	_ =	shalt  }
0x5b: {  	_ =	shalt  }
0x5c: {  	_ =	shalt  }
0x5d: {  	_ =	shalt  }
0x5e: {  	_ =	shalt  }
0x5f: {  	_ =	shalt  }
0x60: {  	_ =	shalt  }
0x61: {  	_ =	shalt  }
0x62: {  	_ =	shalt  }
0x63: {  	_ =	shalt  }
0x64: {  	_ =	shalt  }
0x65: {  	_ =	shalt  }
0x66: {  	_ =	shalt  }
0x67: {  	_ =	shalt  }
0x68: {  	_ =	shalt  }
0x69: {  	_ =	shalt  }
0x6a: {  	_ =	shalt  }
0x6b: {  	_ =	shalt  }
0x6c: {  	_ =	shalt  }
0x6d: {  	_ =	shalt  }
0x6e: {  	_ =	shalt  }
0x6f: {  	_ =	shalt  }
0x70: {  	_ =	shalt  }
0x71: {  	_ =	shalt  }
0x72: {  	_ =	shalt  }
0x73: {  	_ =	shalt  }
0x74: {  	_ =	shalt  }
0x75: {  	_ =	shalt  }
0x76: {  	_ =	shalt  }
0x77: {  	_ =	shalt  }
0x78: {  	_ =	shalt  }
0x79: {  	_ =	shalt  }
0x7a: {  	_ =	shalt  }
0x7b: {  	_ =	shalt  }
0x7c: {  	_ =	shalt  }
0x7d: {  	_ =	shalt  }
0x7e: {  	_ =	shalt  }
0x7f: {  	_ =	shalt  }
0x80: {  	_ =	shalt  }
0x81: {  	_ =	shalt  }
0x82: {  	_ =	shalt  }
0x83: {  	_ =	shalt  }
0x84: {  	_ =	shalt  }
0x85: {  	_ =	shalt  }
0x86: {  	_ =	shalt  }
0x87: {  	_ =	shalt  }
.Lfunc_end0:
.L_simem_size_0:
called_computation_lowered:
.L_overlay_start_0:
0x88: {  	s0 =	sld [smem:$0x3FD9]  }
0x89: {  	s1 =	sld [smem:$0x3FFE];
	_ =	sdelay $0x3  }
0x8a: {  	s0 =	sadd.s32 s1, s0  }
0x8b: {  	[smem:$0x3FB8] =	sst s0  }
0x8c: {  	_ = 	snop  }
0x8d: {  	(tm) =	ssettm $0x1  }
0x8e: {  	s15 =	sld [smem:$0x3FFB];
	_ =	sdelay $0x3  }
0x8f: {  	_ =	strace s15  }
0x90: {  	s0 =	sld [smem:$0x3FFC];
	_ =	sdelay $0x3  }
0x91: {  	_ =	strace s0  }
0x92: {  	s0 =	sld [smem:$0x3FFD];
	_ =	sdelay $0x3  }
0x93: {  	_ =	strace s0  }
0x94: {  	_ =	strace $0x8FFFFFFF  }
0x95: {  	s16 =	sld [smem:$0x3FDB];
	_ =	sdelay $0x1  }
0x96: {  	s17 =	simm.s32 $_scs_section_size  }
0x97: {  	s2 =	simm.s32 $_size__tile_overlayer_lowered;
	s3 =	simm.s32 $_tile_overlayer_lowered  }
0x98: {  	s20 =	simm.s32 $0x1BFF;
	s19 =	sshll.u32 s3, $0x1;
	s0 =	sadd.s32 s17, s16  }
0x99: {  	s4 =	simm.s32 $0x0;
	s18 =	sshll.u32 s2, $0x1;
	s2 =	sadd.s32 s19, s0  }
0x9a: {  	[timem:s4], [sflag:s20] =	dma.local [hbm:s2], s18  }
0x9b: {  	_ =	swait.ge [sflag:s20], s18  }
0x9c: {  	s1 =	ssub.s32 $0x0, s18;
	[sflag:s20] =	ssyncset.done $0x0  }
0x9d: {  	[sflag:s20] =	ssyncadd.s32 s1;
	_ =	sdelay $0x1  }
0x9e: {  	s21 =	simm.s32 $0x1B8B  }
0x9f: {  	_ =	swait.ge [sflag:s21], $0x1  }
0xa0: {  	[sflag:s21] =	ssyncset.done $0x0  }
0xa1: {  	s23 =	simm.s32 $0x1B8E;
	s22 =	sld [smem:$0x3FFE];
	[sflag:s21] =	ssyncadd.s32 $0xFFFFFFFF  }
0xa2: {  	s24 =	simm.s32 $execute0_lowered;
	[smem:$0x3FD2] =	sst s23  }
0xa3: {  	s2 =	sshll.u32 s24, $0x1;
	_ =	strace $0x80000046;
	[dreg:$0x1] =	wrdreg $0xFFFFFFFF  }
0xa4: {  	s25 =	simm.s32 $_size_execute0_lowered;
	s0 =	sadd.s32 s0, s2;
	[dreg:$0x0] =	wrdreg $0x0  }
0xa5: {  	s2 =	sshll.u32 s25, $0x1;
	[dreg:$0x2] =	wrdreg s0  }
0xa6: {  	[dreg:$0x3] =	wrdreg s2  }
0xa7: {  	[dreg:$0x4] =	wrdreg $0xC0  }
0xa8: {  	_ =	task [dreg:s4], $0x5FFFF  }
0xa9: {  	[dreg:$0x1] =	wrdreg $0xFFFFFFFF  }
0xaa: {  	[dreg:$0x0] =	wrdreg $0x60  }
0xab: {  	[dreg:$0x2] =	wrdreg s22  }
0xac: {  	[dreg:$0x3] =	wrdreg $0x9  }
0xad: {  	_ =	task.clear_ibuf [dreg:s4], $0x4FFFF;
	_ =	strace $0x90000046  }
0xae: {  	s26 =	simm.s32 $0x9;
	_ =	strace $0x80000048  }
0xaf: {  	_ =	swait.ge [sflag:s26], $0x1  }
0xb0: {  	[sflag:s26] =	ssyncadd.s32 $0xFFFFFFFF  }
0xb1: {  	_ =	strace $0x90000048  }
0xb2: {  	_ =	sfence  }
0xb3: {  	s28 =	sld [smem:$0x0];
	_ =	sdelay $0x1  }
0xb4: {  	s29 =	srdreg.scid  }
0xb5: {  	s30 =	sshll.u32 s29, $0xD;
	s31 =	sshrl.u32 s29, $0x2  }
0xb6: {  	s1 =	sand.u32 $0x1, s29;
	s2 =	sand.u32 $0x4000, s30;
	s0 =	sadd.s32 s31, s28  }
0xb7: {  	s1 =	sor.u32 s2, s1;
	s0 =	sshll.u32 s0, $0x11  }
0xb8: {  	s0 =	sor.u32 s0, s1  }
0xb9: {  	s0 =	sadd.s32 $0x8F2B, s0  }
0xba: {  	[sflag:s0] =	ssyncadd.remote.s32 $0x1  }
0xbb: {  	_ =	sfence.sel $0xFFFF  }
0xbc: {  	[dreg:$0x0] =	wrdreg $0xFFFFFFFF;
	(pc) =	sbr.abs _section_cstart, $3  }
0xbd: {  	[dreg:$0x1] =	wrdreg $0xFFFFFFFF  }
0xbe: {  	_ =	task.clear_ibuf [dreg:s4], $0x2FFFF;
	_ =	strace $0x9FFFFFFF  }
0xbf: {  	(tm) =	ssettm $0x7FFFFFFF  }
tec
execute0_lowered:
.L_overlay_start_1:
0x0: {  	(tag) =	ssettag $0x1  }
0x1: {  	s4 =	rddreg [dreg:$0x0]  }
0x2: {  	s0 =	rddreg [dreg:$0x1];
	_ =	strace $0x80000047;
	s5 =	stileid.u32  }
0x3: {  	s3 =	simm.s32 $0x3E;
	s1 =	sadd.s32 $0x2A00, s4;
	p0 =	sne.s32 s5, $0x0  }
0x4: {  	[sflag:s3] =	ssyncpa.u1 $0x0;
	s6 =	simm.s32 @!p0 $0x1C3E;
	s2 =	simm.s32 @!p0 $0x0  }
0x5: {  	[spmem:s2], [sflag:s6] =	dma.local @!p0 [hbm:s1], $0x10  }
0x6: {  	s6 =	simm.s32 @!p0 $0x3E  }
0x7: {  	_ =	swait.ge @!p0 [sflag:s6], $0x10  }
0x8: {  	[sflag:s6] =	ssyncset.done @!p0 $0x0  }
0x9: {  	s13 =	simm.s32 $0x1;
	[sflag:s6] =	ssyncadd.s32 @!p0 $0xFFFFFFF0  }
0xa: {  	s7 =	simm.s32 $0x2;
	s8 =	simm.s32 $0x0;
	[bflag:$0x0] =	sbarrier.arrive $0xFFFF  }
0xb: {  	s9 =	simm.s32 $0x88;
	s14 =	sadd.s32 $0x2600, s4;
	[sflag:s3] =	ssyncpa.u1 $0x1  }
0xc: {  	s4 =	sadd.s32 $0x2C00, s4;
	s5 =	sshll.u32 s5, $0x4;
	[sflag:s13] =	ssyncpa.u1 $0x0  }
0xd: {  	s6 =	sadd.s32 s14, s5;
	(ifvalue) =	ssetifvalue $0x80;
	[sflag:s7] =	ssyncpa.u1 $0x0  }
0xe: {  	[tilespmem:s9], [sflag:$0x2] =	stream.linear.gather [hbm4b:s6+s8], $0x80, $0x38;
	[tilespmem:$0x208] =	vst v63  }
0xf: {  	s15 =	simm.s32 $0x188;
	s4 =	sadd.s32 s4, s5  }
0x10: {  	[tilespmem:s15], [sflag:$0x2] =	stream.linear.gather [hbm4b:s4+s8], $0x80, $0x38;
	[tilespmem:$0x208] =	vst v63  }
0x11: {  	_ =	swait.ge [sflag:s7], $0x100  }
0x12: {  	[sflag:s7] =	ssyncset.done $0x0  }
0x13: {  	[sflag:s7] =	ssyncadd.s32 $0xFFFFFF00  }
0x14: {  	v0 =	vld.msk [tilespmem:s9+$0x0 ss:$0x1], $0xffff;
	_ =	sdelay $0x4  }
0x15: {  	v0 =	vmin.u32 v0, $0x80;
	_ =	sdelay $0x3  }
0x16: {  	vm0 =	vmmov $0xffff;
	s16 =	simm.s32 $0x98  }
0x17: {  	[spmem:s8] =	stream.indirect_vreg.scatter.add.s32 [tilespmem:s15], [sflag:$0x1], $0x1, v0, vm0, $0x4038;
	[tilespmem:$0x208] =	vst v63  }
0x18: {  	v0 =	vld.msk [tilespmem:s16+$0x0 ss:$0x1], $0xffff;
	_ =	sdelay $0x4  }
0x19: {  	v0 =	vmin.u32 v0, $0x80;
	_ =	sdelay $0x3  }
0x1a: {  	s17 =	simm.s32 $0x198;
	s18 =	simm.s32 $0xA8  }
0x1b: {  	[spmem:s8] =	stream.indirect_vreg.scatter.add.s32 [tilespmem:s17], [sflag:$0x1], $0x1, v0, vm0, $0x4038;
	[tilespmem:$0x208] =	vst v63  }
0x1c: {  	v0 =	vld.msk [tilespmem:s18+$0x0 ss:$0x1], $0xffff;
	_ =	sdelay $0x4  }
0x1d: {  	v0 =	vmin.u32 v0, $0x80;
	_ =	sdelay $0x3  }
0x1e: {  	s19 =	simm.s32 $0x1A8;
	s20 =	simm.s32 $0xB8  }
0x1f: {  	[spmem:s8] =	stream.indirect_vreg.scatter.add.s32 [tilespmem:s19], [sflag:$0x1], $0x1, v0, vm0, $0x4038;
	[tilespmem:$0x208] =	vst v63  }
0x20: {  	v0 =	vld.msk [tilespmem:s20+$0x0 ss:$0x1], $0xffff;
	_ =	sdelay $0x4  }
0x21: {  	v0 =	vmin.u32 v0, $0x80;
	_ =	sdelay $0x3  }
0x22: {  	s21 =	simm.s32 $0x1B8;
	s22 =	simm.s32 $0xC8  }
0x23: {  	[spmem:s8] =	stream.indirect_vreg.scatter.add.s32 [tilespmem:s21], [sflag:$0x1], $0x1, v0, vm0, $0x4038;
	[tilespmem:$0x208] =	vst v63  }
0x24: {  	v0 =	vld.msk [tilespmem:s22+$0x0 ss:$0x1], $0xffff;
	_ =	sdelay $0x4  }
0x25: {  	v0 =	vmin.u32 v0, $0x80;
	_ =	sdelay $0x3  }
0x26: {  	s23 =	simm.s32 $0x1C8;
	s24 =	simm.s32 $0xD8  }
0x27: {  	[spmem:s8] =	stream.indirect_vreg.scatter.add.s32 [tilespmem:s23], [sflag:$0x1], $0x1, v0, vm0, $0x4038;
	[tilespmem:$0x208] =	vst v63  }
0x28: {  	v0 =	vld.msk [tilespmem:s24+$0x0 ss:$0x1], $0xffff;
	_ =	sdelay $0x4  }
0x29: {  	v0 =	vmin.u32 v0, $0x80;
	_ =	sdelay $0x3  }
0x2a: {  	s25 =	simm.s32 $0x1D8;
	s26 =	simm.s32 $0xE8  }
0x2b: {  	[spmem:s8] =	stream.indirect_vreg.scatter.add.s32 [tilespmem:s25], [sflag:$0x1], $0x1, v0, vm0, $0x4038;
	[tilespmem:$0x208] =	vst v63  }
0x2c: {  	v0 =	vld.msk [tilespmem:s26+$0x0 ss:$0x1], $0xffff;
	_ =	sdelay $0x4  }
0x2d: {  	v0 =	vmin.u32 v0, $0x80;
	_ =	sdelay $0x3  }
0x2e: {  	s28 =	simm.s32 $0x1E8;
	s29 =	simm.s32 $0xF8  }
0x2f: {  	[spmem:s8] =	stream.indirect_vreg.scatter.add.s32 [tilespmem:s28], [sflag:$0x1], $0x1, v0, vm0, $0x4038;
	[tilespmem:$0x208] =	vst v63  }
0x30: {  	v0 =	vld.msk [tilespmem:s29+$0x0 ss:$0x1], $0xffff;
	_ =	sdelay $0x4  }
0x31: {  	v0 =	vmin.u32 v0, $0x80;
	_ =	sdelay $0x3  }
0x32: {  	s30 =	simm.s32 $0x1F8  }
0x33: {  	[spmem:s8] =	stream.indirect_vreg.scatter.add.s32 [tilespmem:s30], [sflag:$0x1], $0x1, v0, vm0, $0x4038;
	[tilespmem:$0x208] =	vst v63  }
0x34: {  	_ =	swait.ge [sflag:s13], $0x80  }
0x35: {  	[sflag:s13] =	ssyncset.done $0x0  }
0x36: {  	[sflag:s13] =	ssyncadd.s32 $0xFFFFFF80  }
0x37: {  	_ =	sfence.sel $0x180000  }
0x38: {  	[bflag:$0x0] =	sbarrier.arrive $0xFFFF  }
0x39: {  	[sflag:s7] =	ssyncpa.u1 $0x1  }
0x3a: {  	[sflag:s13] =	ssyncpa.u1 $0x1  }
0x3b: {  	_ =	sfence.stream.spmem  }
0x3c: {  	s31 =	simm.s32 $0x3D;
	[bflag:$0x0] =	sbarrier.arrive $0xFFFF  }
0x3d: {  	s3 =	simm.s32 @p0 $0x3D;
	[sflag:s31] =	ssyncpa.u1 $0x0  }
0x3e: {  	[sflag:s3] =	ssyncpa.u1 @p0 $0x1  }
0x3f: {  	[bflag:$0x0] =	sbarrier.arrive @p0 $0xFFFF  }
0x40: {  	_ =	strace @p0 $0x90000047  }
0x41: {  	s3 =	simm.s32 @!p0 $0x1C3D;
	[bflag:$0x2] =	sbarrier.arrive @p0 $0xFFFF  }
0x42: {  	[hbm:s1], [sflag:s3] =	dma.local @!p0 [spmem:s2], $0x10  }
0x43: {  	s1 =	simm.s32 @!p0 $0x3D  }
0x44: {  	_ =	swait.ge @!p0 [sflag:s1], $0x10  }
0x45: {  	[sflag:s1] =	ssyncset.done @!p0 $0x0  }
0x46: {  	[sflag:s1] =	ssyncadd.s32 @!p0 $0xFFFFFFF0  }
0x47: {  	[sflag:s1] =	ssyncpa.u1 @!p0 $0x1  }
0x48: {  	[bflag:$0x0] =	sbarrier.arrive @!p0 $0xFFFF  }
0x49: {  	_ =	strace @!p0 $0x90000047  }
0x4a: {  	s0 =	sadd.s32 @!p0 $0x100000, s0;
	[bflag:$0x2] =	sbarrier.arrive @!p0 $0xFFFF  }
0x4b: {  	[sflag:s0] =	ssyncadd.tile.s32 @!p0 $0x1;
	_ =	shalt  }
.Lfunc_end2:
_tile_overlayer_lowered:
.L_overlay_start_2:
0x4c: {  	(tag) =	ssettag $0x2  }
0x4d: {  	s0 =	rddreg [dreg:$0x0];
	s2 =	stileid.u32  }
0x4e: {  	s1 =	rddreg [dreg:$0x1];
	p0 =	sne.s32 s2, $0x0  }
0x4f: {  	s3 =	rddreg [dreg:$0x2];
	[bflag:$0x3] =	sbarrier.arrive $0xFFFF;
	s2 =	simm.s32 @!p0 $0x1C01  }
0x50: {  	[timem:s3], [sflag:s2] =	dma.local @!p0 [hbm:s0], s1  }
0x51: {  	s0 =	simm.s32 @!p0 $0x1  }
0x52: {  	_ =	swait.ge @!p0 [sflag:s0], s1  }
0x53: {  	s1 =	ssub.s32 @!p0 $0x0, s1;
	[sflag:s0] =	ssyncset.done @!p0 $0x0  }
0x54: {  	[sflag:s0] =	ssyncadd.s32 @!p0 s1  }
0x55: {  	[bflag:$0x3] =	sbarrier.arrive $0xFFFF  }
0x56: {  	_ =	shalt  }

</sc_bundles>
